<compile_context>
chip_gen: v7x
topology: tpu7x:2x2x1
jax: 0.10.2.dev20260603
libtpu: 0.0.44.dev20260713+nightly
codegen_flags: <defaults>
</compile_context>

<pallas_src>
import functools

import jax
import jax.numpy as jnp
from jax import lax
from jax.experimental import pallas as pl
from jax.experimental.pallas import tpu as pltpu
from jax.experimental.pallas import tpu_sc as plsc

LANES = 16
CHUNK = 80
NWORKERS = 32
SCPAD = 3 * CHUNK + LANES


def _rsqrt(v):
    i = lax.bitcast_convert_type(v, jnp.int32)
    i = jnp.int32(0x5F3759DF) - lax.shift_right_logical(i, 1)
    y = lax.bitcast_convert_type(i, jnp.float32)
    for _ in range(2):
        y = y * (1.5 - 0.5 * v * y * y)
    return y


def _tree(vs):
    while len(vs) > 1:
        nxt = [vs[i] + vs[i + 1] for i in range(0, len(vs) - 1, 2)]
        if len(vs) % 2:
            nxt.append(vs[-1])
        vs = nxt
    return vs[0]


def _make_kernel(L, N, D):
    assert D == 128 and L == 4
    G = D // LANES
    nchunks = N // CHUNK
    assert N % CHUNK == 0

    mesh = plsc.VectorSubcoreMesh(core_axis_name="c", subcore_axis_name="s")

    @functools.partial(
        pl.kernel,
        mesh=mesh,
        compiler_params=pltpu.CompilerParams(needs_layout_passes=False),
        out_type=[
            jax.ShapeDtypeStruct((N, D), jnp.float32),
            jax.ShapeDtypeStruct(((L - 1) * N,), jnp.float32),
        ],
        scratch_types=[
            pltpu.VMEM((2, L, CHUNK, D), jnp.float32),
            pltpu.VMEM((2, CHUNK, D), jnp.float32),
            pltpu.VMEM((2 * SCPAD,), jnp.float32),
            pltpu.VMEM((272,), jnp.float32),
            pltpu.SemaphoreType.DMA((2,)),
            pltpu.SemaphoreType.DMA((2,)),
        ],
    )
    def merge_kernel(xs_hbm, wb_hbm, emb_hbm, sc_hbm,
                     inb, embb, scb, wv, sem_in, sem_out):
        wid = lax.axis_index("s") * 2 + lax.axis_index("c")
        pltpu.sync_copy(wb_hbm, wv)
        w1 = [wv[pl.ds(g * LANES, LANES)] for g in range(G)]
        w2 = [wv[pl.ds(D + g * LANES, LANES)] for g in range(G)]
        lane = lax.iota(jnp.int32, LANES)
        lane_first = lane == 0
        half0 = lane < 8
        quart0 = lane < 4
        quart2 = lane < 12
        idx4 = [lane * 0 + (4 * l) for l in range(4)]
        bb = lax.broadcast(wv[pl.ds(2 * D, LANES)][0], (LANES,))
        my_n = (nchunks + (NWORKERS - 1) - wid) // NWORKERS

        def _bcast(s):
            return lax.broadcast(s, (LANES,))

        def chunk_base(i):
            return (wid + i * NWORKERS) * CHUNK

        def in_copy(i, slot):
            return pltpu.make_async_copy(
                xs_hbm.at[:, pl.ds(chunk_base(i), CHUNK)],
                inb.at[slot], sem_in.at[slot])

        def emb_copy(i, slot):
            return pltpu.make_async_copy(
                embb.at[slot], emb_hbm.at[pl.ds(chunk_base(i), CHUNK)],
                sem_out.at[slot])

        def sc_copy(i, slot, l):
            return pltpu.make_async_copy(
                scb.at[pl.ds(slot * SCPAD + l * CHUNK, CHUNK)],
                sc_hbm.at[pl.ds(l * N + chunk_base(i), CHUNK)],
                sem_out.at[slot])

        in_copy(0, 0).start()

        def chunk_body(i, carry):
            slot = lax.rem(i, 2)

            @pl.when(i + 1 < my_n)
            def _():
                in_copy(i + 1, 1 - slot).start()

            in_copy(i, slot).wait()

            @pl.when(i >= 2)
            def _():
                emb_copy(i - 2, slot).wait()
                for l in range(L - 1):
                    sc_copy(i - 2, slot, l).wait()

            def node_body(n, c2):
                x = [[inb[slot, l, n, pl.ds(g * LANES, LANES)]
                      for g in range(G)] for l in range(L)]

                def red(vs):
                    return _bcast(jnp.sum(_tree(vs)))

                ss = [red([x[l][g] * x[l][g] for g in range(G)])
                      for l in range(L)]
                dq = red([x[0][g] * w2[g] for g in range(G)])
                dm = [red([x[l][g] * w1[g] for g in range(G)])
                      for l in range(1, L)]
                u = jnp.where(half0,
                              jnp.where(quart0, ss[0], ss[1]),
                              jnp.where(quart2, ss[2], ss[3]))
                invp = _rsqrt(jnp.maximum(u, 1e-24))
                inv = [jnp.take_along_axis(invp, idx4[l], axis=0)
                       for l in range(L)]
                sq = dq * inv[0]
                s = [dm[l] * inv[l + 1] + sq + bb for l in range(L - 1)]
                s = [jnp.where(t >= 0, t, 0.01 * t) for t in s]
                mx = jnp.maximum(jnp.maximum(s[0], s[1]), s[2])
                e = [jnp.exp(t - mx) for t in s]
                den = e[0] + e[1] + e[2] + 1e-16
                a = [t / den for t in e]
                c = [a[l] * inv[l + 1] for l in range(L - 1)]
                for g in range(G):
                    embb[slot, n, pl.ds(g * LANES, LANES)] = (
                        x[0][g] * inv[0]
                        + c[0] * x[1][g] + c[1] * x[2][g] + c[2] * x[3][g])
                for l in range(L - 1):
                    plsc.store_compressed(
                        scb.at[pl.ds(slot * SCPAD + l * CHUNK + n, LANES)],
                        a[l], mask=lane_first)
                return c2

            lax.fori_loop(0, CHUNK, node_body, 0)
            emb_copy(i, slot).start()
            for l in range(L - 1):
                sc_copy(i, slot, l).start()
            return carry

        lax.fori_loop(0, my_n, chunk_body, 0)

        @pl.when(my_n >= 2)
        def _():
            s = lax.rem(my_n, 2)
            emb_copy(my_n - 2, s).wait()
            for l in range(L - 1):
                sc_copy(my_n - 2, s, l).wait()

        s = lax.rem(my_n - 1, 2)
        emb_copy(my_n - 1, s).wait()
        for l in range(L - 1):
            sc_copy(my_n - 1, s, l).wait()

    return merge_kernel


def kernel(xs, W_att, b_att):
    L, N, D = xs.shape
    wb = jnp.concatenate(
        [W_att[:, 0], b_att, jnp.zeros((15,), jnp.float32)])
    emb, sc = _make_kernel(L, N, D)(xs, wb)
    return emb, sc

# --- scband reference (transcript-rebuilt; emitter-appended) ---
"""Pipeline reference for scband-merge-xs-61083024884172 (READ-ONLY COPY).

The authoritative reference and input builder live on the scoring server;
editing this copy changes nothing except your own understanding.
"""

import jax, jax.numpy as jnp
import numpy as np


def _l2norm(x):
    n = jnp.linalg.norm(x, axis=-1, keepdims=True)
    return x / jnp.maximum(n, 1e-12)


def setup_inputs(seed: int = 0) -> dict:
    key = jax.random.key(seed)
    k1, k2 = jax.random.split(key, 2)
    xs = jax.random.normal(k1, (4, 100000, 128), dtype=jnp.float32)
    # lin_att: nn.Linear(2*dim, 1) -> weight [1, 256], stored here transposed [256, 1]
    W_att = jax.random.normal(k2, (256, 1), dtype=jnp.float32) * 0.05
    b_att = jnp.zeros((1,), dtype=jnp.float32)
    return {"xs": xs, "W_att": W_att, "b_att": b_att}


def reference(xs, W_att, b_att):
    # Merge_xs forward with mode='ATT', eval mode (dropout is a no-op).
    L, N, D = xs.shape
    query = _l2norm(xs[0])                              # [N, D]
    message = _l2norm(xs[1:].reshape((L - 1) * N, D))   # [(L-1)*N, D]
    q_rep = jnp.tile(query, (L - 1, 1))                 # [(L-1)*N, D]
    score = (jnp.concatenate([message, q_rep], axis=-1) @ W_att + b_att).squeeze(-1)
    score = jax.nn.leaky_relu(score, negative_slope=0.01)
    # index[1] = list(range(N)) * (num_levels - 1): each level-block maps to node j
    idx = jnp.tile(jnp.arange(N), L - 1)
    # torch_geometric softmax grouped by destination node
    seg_max = jax.ops.segment_max(score, idx, num_segments=N)
    ex = jnp.exp(score - seg_max[idx])
    den = jax.ops.segment_sum(ex, idx, num_segments=N)
    score = ex / (den[idx] + 1e-16)
    # dropout skipped (training=False)
    msg = score[:, None] * message
    embedding = query + jax.ops.segment_sum(msg, idx, num_segments=N)
    return (embedding, score)

if __name__ == "__main__":
    import jax
    _d = setup_inputs()
    print(jax.jit(kernel)(*tuple(_d.values())))

</pallas_src>

<mosaic_0001>
#map = affine_map<(d0, d1) -> (0, 0, 0)>
#map1 = affine_map<(d0, d1) -> (0)>
#map2 = affine_map<(d0, d1) -> (0, 0)>
module attributes {stable_mosaic.version = 14 : i64} {
  func.func @merge_kernel(%arg0: i32, %arg1: i32, %arg2: memref<4x100000x128xf32, #tpu.memory_space<hbm>>, %arg3: memref<272xf32, #tpu.memory_space<hbm>>, %arg4: memref<100000x128xf32, #tpu.memory_space<hbm>>, %arg5: memref<300000xf32, #tpu.memory_space<hbm>>, %arg6: memref<2x4x80x128xf32, #tpu.memory_space<vmem>>, %arg7: memref<2x80x128xf32, #tpu.memory_space<vmem>>, %arg8: memref<512xf32, #tpu.memory_space<vmem>>, %arg9: memref<272xf32, #tpu.memory_space<vmem>>, %arg10: memref<2x!tpu.dma_semaphore, #tpu.memory_space<semaphore_mem>>, %arg11: memref<2x!tpu.dma_semaphore, #tpu.memory_space<semaphore_mem>>) attributes {dimension_semantics = [#tpu.dimension_semantics<core_parallel>, #tpu.dimension_semantics<subcore_parallel>], iteration_bounds = array<i64: 2, 16>, scalar_prefetch = 0 : i64, scratch_operands = 6 : i64, tpu.core_type = #tpu.core_type<sc_vector_subcore>, window_params = [{transform_indices = #map}, {transform_indices = #map1}, {transform_indices = #map2}, {transform_indices = #map1}]} {
    %mul3A = arith.constant 2 : i32
    %mul3A_0 = arith.muli %arg1, %mul3A : i32
    %add3A = arith.addi %mul3A_0, %arg0 : i32
    "tpu.region"() ({
      %run_scoped3A = tpu.sem_alloc : memref<!tpu.dma_semaphore, #tpu.memory_space<semaphore_mem>>
      tpu.enqueue_dma source(%arg3 : memref<272xf32, #tpu.memory_space<hbm>>) target(%arg9 : memref<272xf32, #tpu.memory_space<vmem>>) target_semaphore(%run_scoped3A : memref<!tpu.dma_semaphore, #tpu.memory_space<semaphore_mem>>)
      tpu.wait_dma2 semaphore(%run_scoped3A : memref<!tpu.dma_semaphore, #tpu.memory_space<semaphore_mem>>) src(%arg3 : memref<272xf32, #tpu.memory_space<hbm>>) dst(%arg9 : memref<272xf32, #tpu.memory_space<vmem>>)
      tpu.yield
    }) : () -> ()
    %get3A = arith.constant 0 : index
    %get3A_1 = tpu.vector_load %arg9[%get3A] {strides = array<i32>} : memref<272xf32, #tpu.memory_space<vmem>>, vector<16xf32>,
    %get3A_2 = arith.constant 16 : index
    %get3A_3 = tpu.vector_load %arg9[%get3A_2] {strides = array<i32>} : memref<272xf32, #tpu.memory_space<vmem>>, vector<16xf32>,
    %get3A_4 = arith.constant 32 : index
    %get3A_5 = tpu.vector_load %arg9[%get3A_4] {strides = array<i32>} : memref<272xf32, #tpu.memory_space<vmem>>, vector<16xf32>,
    %get3A_6 = arith.constant 48 : index
    %get3A_7 = tpu.vector_load %arg9[%get3A_6] {strides = array<i32>} : memref<272xf32, #tpu.memory_space<vmem>>, vector<16xf32>,
    %get3A_8 = arith.constant 64 : index
    %get3A_9 = tpu.vector_load %arg9[%get3A_8] {strides = array<i32>} : memref<272xf32, #tpu.memory_space<vmem>>, vector<16xf32>,
    %get3A_10 = arith.constant 80 : index
    %get3A_11 = tpu.vector_load %arg9[%get3A_10] {strides = array<i32>} : memref<272xf32, #tpu.memory_space<vmem>>, vector<16xf32>,
    %get3A_12 = arith.constant 96 : index
    %get3A_13 = tpu.vector_load %arg9[%get3A_12] {strides = array<i32>} : memref<272xf32, #tpu.memory_space<vmem>>, vector<16xf32>,
    %get3A_14 = arith.constant 112 : index
    %get3A_15 = tpu.vector_load %arg9[%get3A_14] {strides = array<i32>} : memref<272xf32, #tpu.memory_space<vmem>>, vector<16xf32>,
    %get3A_16 = arith.constant 128 : index
    %get3A_17 = tpu.vector_load %arg9[%get3A_16] {strides = array<i32>} : memref<272xf32, #tpu.memory_space<vmem>>, vector<16xf32>,
    %get3A_18 = arith.constant 144 : index
    %get3A_19 = tpu.vector_load %arg9[%get3A_18] {strides = array<i32>} : memref<272xf32, #tpu.memory_space<vmem>>, vector<16xf32>,
    %get3A_20 = arith.constant 160 : index
    %get3A_21 = tpu.vector_load %arg9[%get3A_20] {strides = array<i32>} : memref<272xf32, #tpu.memory_space<vmem>>, vector<16xf32>,
    %get3A_22 = arith.constant 176 : index
    %get3A_23 = tpu.vector_load %arg9[%get3A_22] {strides = array<i32>} : memref<272xf32, #tpu.memory_space<vmem>>, vector<16xf32>,
    %get3A_24 = arith.constant 192 : index
    %get3A_25 = tpu.vector_load %arg9[%get3A_24] {strides = array<i32>} : memref<272xf32, #tpu.memory_space<vmem>>, vector<16xf32>,
    %get3A_26 = arith.constant 208 : index
    %get3A_27 = tpu.vector_load %arg9[%get3A_26] {strides = array<i32>} : memref<272xf32, #tpu.memory_space<vmem>>, vector<16xf32>,
    %get3A_28 = arith.constant 224 : index
    %get3A_29 = tpu.vector_load %arg9[%get3A_28] {strides = array<i32>} : memref<272xf32, #tpu.memory_space<vmem>>, vector<16xf32>,
    %get3A_30 = arith.constant 240 : index
    %get3A_31 = tpu.vector_load %arg9[%get3A_30] {strides = array<i32>} : memref<272xf32, #tpu.memory_space<vmem>>, vector<16xf32>,
    %iota3A = tpu.iota {dimensions = array<i32: 0>} : vector<16xi32>
    %eq3A = arith.constant 0 : i32
    %eq3A_32 = vector.broadcast %eq3A : i32 to vector<16xi32>
    %eq3A_33 = arith.cmpi eq, %iota3A, %eq3A_32 : vector<16xi32>
    %lt3A = arith.constant 8 : i32
    %lt3A_34 = vector.broadcast %lt3A : i32 to vector<16xi32>
    %lt3A_35 = arith.cmpi slt, %iota3A, %lt3A_34 : vector<16xi32>
    %lt3A_36 = arith.constant 4 : i32
    %lt3A_37 = vector.broadcast %lt3A_36 : i32 to vector<16xi32>
    %lt3A_38 = arith.cmpi slt, %iota3A, %lt3A_37 : vector<16xi32>
    %lt3A_39 = arith.constant 12 : i32
    %lt3A_40 = vector.broadcast %lt3A_39 : i32 to vector<16xi32>
    %lt3A_41 = arith.cmpi slt, %iota3A, %lt3A_40 : vector<16xi32>
    %mul3A_42 = arith.constant 0 : i32
    %mul3A_43 = vector.broadcast %mul3A_42 : i32 to vector<16xi32>
    %mul3A_44 = arith.muli %iota3A, %mul3A_43 : vector<16xi32>
    %add3A_45 = arith.constant 0 : i32
    %add3A_46 = vector.broadcast %add3A_45 : i32 to vector<16xi32>
    %add3A_47 = arith.addi %mul3A_44, %add3A_46 : vector<16xi32>
    %mul3A_48 = arith.constant 0 : i32
    %mul3A_49 = vector.broadcast %mul3A_48 : i32 to vector<16xi32>
    %mul3A_50 = arith.muli %iota3A, %mul3A_49 : vector<16xi32>
    %add3A_51 = arith.constant 4 : i32
    %add3A_52 = vector.broadcast %add3A_51 : i32 to vector<16xi32>
    %add3A_53 = arith.addi %mul3A_50, %add3A_52 : vector<16xi32>
    %mul3A_54 = arith.constant 0 : i32
    %mul3A_55 = vector.broadcast %mul3A_54 : i32 to vector<16xi32>
    %mul3A_56 = arith.muli %iota3A, %mul3A_55 : vector<16xi32>
    %add3A_57 = arith.constant 8 : i32
    %add3A_58 = vector.broadcast %add3A_57 : i32 to vector<16xi32>
    %add3A_59 = arith.addi %mul3A_56, %add3A_58 : vector<16xi32>
    %mul3A_60 = arith.constant 0 : i32
    %mul3A_61 = vector.broadcast %mul3A_60 : i32 to vector<16xi32>
    %mul3A_62 = arith.muli %iota3A, %mul3A_61 : vector<16xi32>
    %add3A_63 = arith.constant 12 : i32
    %add3A_64 = vector.broadcast %add3A_63 : i32 to vector<16xi32>
    %add3A_65 = arith.addi %mul3A_62, %add3A_64 : vector<16xi32>
    %get3A_66 = arith.constant 256 : index
    %get3A_67 = tpu.vector_load %arg9[%get3A_66] {strides = array<i32>} : memref<272xf32, #tpu.memory_space<vmem>>, vector<16xf32>,
    %slice3A = vector.extract_strided_slice %get3A_67 {offsets = [0], sizes = [1], strides = [1]} : vector<16xf32> to vector<1xf32>
    %squeeze3A = vector.extract %slice3A[0] : f32 from vector<1xf32>
    %broadcast_in_dim3A = vector.broadcast %squeeze3A : f32 to vector<16xf32>
    %sub3A = arith.constant 1281 : i32
    %sub3A_68 = arith.subi %sub3A, %add3A : i32
    %jit3A = arith.constant 32 : i32
    %div3A = arith.divsi %sub3A_68, %jit3A : i32
    %sign3A = arith.constant 0 : i32
    %sign3A_69 = arith.cmpi sgt, %sub3A_68, %sign3A : i32
    %sign3A_70 = arith.extui %sign3A_69 : i1 to i32
    %sign3A_71 = arith.constant 0 : i32
    %sign3A_72 = arith.cmpi slt, %sub3A_68, %sign3A_71 : i32
    %sign3A_73 = arith.extui %sign3A_72 : i1 to i32
    %sign3A_74 = arith.subi %sign3A_70, %sign3A_73 : i32
    %sign3A_75 = arith.constant 0 : i32
    %sign3A_76 = arith.cmpi sgt, %jit3A, %sign3A_75 : i32
    %sign3A_77 = arith.extui %sign3A_76 : i1 to i32
    %sign3A_78 = arith.constant 0 : i32
    %sign3A_79 = arith.cmpi slt, %jit3A, %sign3A_78 : i32
    %sign3A_80 = arith.extui %sign3A_79 : i1 to i32
    %sign3A_81 = arith.subi %sign3A_77, %sign3A_80 : i32
    %ne3A = arith.cmpi ne, %sign3A_74, %sign3A_81 : i32
    %rem3A = arith.remsi %sub3A_68, %jit3A : i32
    %ne3A_82 = arith.constant 0 : i32
    %ne3A_83 = arith.cmpi ne, %rem3A, %ne3A_82 : i32
    %and3A = arith.andi %ne3A, %ne3A_83 : i1
    %sub3A_84 = arith.constant 1 : i32
    %sub3A_85 = arith.subi %div3A, %sub3A_84 : i32
    %select_n3A = arith.select %and3A, %sub3A_85, %div3A : i32
    %add3A_86 = arith.constant 0 : i32
    %add3A_87 = arith.addi %add3A, %add3A_86 : i32
    %mul3A_88 = arith.constant 80 : i32
    %mul3A_89 = arith.muli %add3A_87, %mul3A_88 : i32
    %dma_start3A = arith.constant 0 : i32
    %dma_start3A_90 = arith.constant 0 : i32
    %dma_start3A_91 = arith.constant 0 : i32
    %dma_start3A_92 = arith.constant 0 : i32
    %dma_start3A_93 = arith.constant 0 : i32
    %dma_start3A_94 = tpu.memref_slice %arg6[%dma_start3A, %dma_start3A_91, %dma_start3A_92, %dma_start3A_93] : memref<2x4x80x128xf32, #tpu.memory_space<vmem>> -> memref<1x4x80x128xf32, #tpu.memory_space<vmem>>
    %dma_start3A_95 = tpu.memref_squeeze %dma_start3A_94 : memref<1x4x80x128xf32, #tpu.memory_space<vmem>> -> memref<4x80x128xf32, #tpu.memory_space<vmem>>
    %dma_start3A_96 = arith.constant 0 : i32
    %dma_start3A_97 = arith.constant 0 : i32
    %dma_start3A_98 = tpu.memref_slice %arg2[%dma_start3A_96, %mul3A_89, %dma_start3A_97] : memref<4x100000x128xf32, #tpu.memory_space<hbm>> -> memref<4x80x128xf32, #tpu.memory_space<hbm>>
    %dma_start3A_99 = tpu.memref_slice %arg10[%dma_start3A_90] : memref<2x!tpu.dma_semaphore, #tpu.memory_space<semaphore_mem>> -> memref<1x!tpu.dma_semaphore, #tpu.memory_space<semaphore_mem>>
    %dma_start3A_100 = tpu.memref_squeeze %dma_start3A_99 : memref<1x!tpu.dma_semaphore, #tpu.memory_space<semaphore_mem>> -> memref<!tpu.dma_semaphore, #tpu.memory_space<semaphore_mem>>
    %dma_start3A_101 = arith.constant 0 : i32
    %dma_start3A_102 = arith.constant 0 : i32
    %dma_start3A_103 = arith.constant 0 : i32
    %dma_start3A_104 = tpu.memref_slice %arg6[%dma_start3A, %dma_start3A_101, %dma_start3A_102, %dma_start3A_103] : memref<2x4x80x128xf32, #tpu.memory_space<vmem>> -> memref<1x4x80x128xf32, #tpu.memory_space<vmem>>
    %dma_start3A_105 = tpu.memref_squeeze %dma_start3A_104 : memref<1x4x80x128xf32, #tpu.memory_space<vmem>> -> memref<4x80x128xf32, #tpu.memory_space<vmem>>
    %dma_start3A_106 = arith.constant 0 : i32
    %dma_start3A_107 = arith.constant 0 : i32
    %dma_start3A_108 = tpu.memref_slice %arg2[%dma_start3A_106, %mul3A_89, %dma_start3A_107] : memref<4x100000x128xf32, #tpu.memory_space<hbm>> -> memref<4x80x128xf32, #tpu.memory_space<hbm>>
    tpu.enqueue_dma source(%dma_start3A_108 : memref<4x80x128xf32, #tpu.memory_space<hbm>>) target(%dma_start3A_105 : memref<4x80x128xf32, #tpu.memory_space<vmem>>) target_semaphore(%dma_start3A_100 : memref<!tpu.dma_semaphore, #tpu.memory_space<semaphore_mem>>)
    %while3A = arith.constant 0 : i32
    %while3A_109 = arith.constant 0 : i32
    %while3A_110 = arith.subi %select_n3A, %while3A_109 : i32
    %while3A_111 = arith.addi %while3A_109, %while3A_110 : i32
    %while3A_112 = arith.constant 1 : i32
    %while3A_113 = arith.divsi %while3A_110, %while3A_112 : i32
    %while3A_114 = arith.muli %while3A_113, %while3A_112 : i32
    %while3A_115 = arith.addi %while3A_109, %while3A_114 : i32
    %while3A_116 = arith.constant 1 : i32
    scf.for %while3A_201 = %while3A_109 to %while3A_115 step %while3A_116  : i32 {
      %rem3A_202 = arith.constant 2 : i32
      %rem3A_203 = arith.remsi %while3A_201, %rem3A_202 : i32
      %add3A_204 = arith.constant 1 : i32
      %add3A_205 = arith.addi %while3A_201, %add3A_204 : i32
      %lt3A_206 = arith.cmpi slt, %add3A_205, %select_n3A : i32
      %convert_element_type3A_207 = arith.extui %lt3A_206 : i1 to i32
      %cond3A_208 = arith.constant 0 : i32
      %cond3A_209 = arith.cmpi ne, %convert_element_type3A_207, %cond3A_208 : i32
      scf.if %cond3A_209 {
        %add3A_313 = arith.constant 1 : i32
        %add3A_314 = arith.addi %while3A_201, %add3A_313 : i32
        %sub3A_315 = arith.constant 1 : i32
        %sub3A_316 = arith.subi %sub3A_315, %rem3A_203 : i32
        %mul3A_317 = arith.constant 32 : i32
        %mul3A_318 = arith.muli %add3A_314, %mul3A_317 : i32
        %add3A_319 = arith.addi %add3A, %mul3A_318 : i32
        %mul3A_320 = arith.constant 80 : i32
        %mul3A_321 = arith.muli %add3A_319, %mul3A_320 : i32
        %dma_start3A_322 = arith.constant 0 : i32
        %dma_start3A_323 = arith.constant 0 : i32
        %dma_start3A_324 = arith.constant 0 : i32
        %dma_start3A_325 = tpu.memref_slice %arg6[%sub3A_316, %dma_start3A_322, %dma_start3A_323, %dma_start3A_324] : memref<2x4x80x128xf32, #tpu.memory_space<vmem>> -> memref<1x4x80x128xf32, #tpu.memory_space<vmem>>
        %dma_start3A_326 = tpu.memref_squeeze %dma_start3A_325 : memref<1x4x80x128xf32, #tpu.memory_space<vmem>> -> memref<4x80x128xf32, #tpu.memory_space<vmem>>
        %dma_start3A_327 = arith.constant 0 : i32
        %dma_start3A_328 = arith.constant 0 : i32
        %dma_start3A_329 = tpu.memref_slice %arg2[%dma_start3A_327, %mul3A_321, %dma_start3A_328] : memref<4x100000x128xf32, #tpu.memory_space<hbm>> -> memref<4x80x128xf32, #tpu.memory_space<hbm>>
        %dma_start3A_330 = tpu.memref_slice %arg10[%sub3A_316] : memref<2x!tpu.dma_semaphore, #tpu.memory_space<semaphore_mem>> -> memref<1x!tpu.dma_semaphore, #tpu.memory_space<semaphore_mem>>
        %dma_start3A_331 = tpu.memref_squeeze %dma_start3A_330 : memref<1x!tpu.dma_semaphore, #tpu.memory_space<semaphore_mem>> -> memref<!tpu.dma_semaphore, #tpu.memory_space<semaphore_mem>>
        %dma_start3A_332 = arith.constant 0 : i32
        %dma_start3A_333 = arith.constant 0 : i32
        %dma_start3A_334 = arith.constant 0 : i32
        %dma_start3A_335 = tpu.memref_slice %arg6[%sub3A_316, %dma_start3A_332, %dma_start3A_333, %dma_start3A_334] : memref<2x4x80x128xf32, #tpu.memory_space<vmem>> -> memref<1x4x80x128xf32, #tpu.memory_space<vmem>>
        %dma_start3A_336 = tpu.memref_squeeze %dma_start3A_335 : memref<1x4x80x128xf32, #tpu.memory_space<vmem>> -> memref<4x80x128xf32, #tpu.memory_space<vmem>>
        %dma_start3A_337 = arith.constant 0 : i32
        %dma_start3A_338 = arith.constant 0 : i32
        %dma_start3A_339 = tpu.memref_slice %arg2[%dma_start3A_337, %mul3A_321, %dma_start3A_338] : memref<4x100000x128xf32, #tpu.memory_space<hbm>> -> memref<4x80x128xf32, #tpu.memory_space<hbm>>
        tpu.enqueue_dma source(%dma_start3A_339 : memref<4x80x128xf32, #tpu.memory_space<hbm>>) target(%dma_start3A_336 : memref<4x80x128xf32, #tpu.memory_space<vmem>>) target_semaphore(%dma_start3A_331 : memref<!tpu.dma_semaphore, #tpu.memory_space<semaphore_mem>>)
      } else {
      }
      %mul3A_210 = arith.constant 32 : i32
      %mul3A_211 = arith.muli %while3A_201, %mul3A_210 : i32
      %add3A_212 = arith.addi %add3A, %mul3A_211 : i32
      %mul3A_213 = arith.constant 80 : i32
      %mul3A_214 = arith.muli %add3A_212, %mul3A_213 : i32
      %dma_wait3A_215 = arith.constant 0 : i32
      %dma_wait3A_216 = arith.constant 0 : i32
      %dma_wait3A_217 = arith.constant 0 : i32
      %dma_wait3A_218 = tpu.memref_slice %arg6[%rem3A_203, %dma_wait3A_215, %dma_wait3A_216, %dma_wait3A_217] : memref<2x4x80x128xf32, #tpu.memory_space<vmem>> -> memref<1x4x80x128xf32, #tpu.memory_space<vmem>>
      %dma_wait3A_219 = tpu.memref_squeeze %dma_wait3A_218 : memref<1x4x80x128xf32, #tpu.memory_space<vmem>> -> memref<4x80x128xf32, #tpu.memory_space<vmem>>
      %dma_wait3A_220 = arith.constant 0 : i32
      %dma_wait3A_221 = arith.constant 0 : i32
      %dma_wait3A_222 = tpu.memref_slice %arg2[%dma_wait3A_220, %mul3A_214, %dma_wait3A_221] : memref<4x100000x128xf32, #tpu.memory_space<hbm>> -> memref<4x80x128xf32, #tpu.memory_space<hbm>>
      %dma_wait3A_223 = tpu.memref_slice %arg10[%rem3A_203] : memref<2x!tpu.dma_semaphore, #tpu.memory_space<semaphore_mem>> -> memref<1x!tpu.dma_semaphore, #tpu.memory_space<semaphore_mem>>
      %dma_wait3A_224 = tpu.memref_squeeze %dma_wait3A_223 : memref<1x!tpu.dma_semaphore, #tpu.memory_space<semaphore_mem>> -> memref<!tpu.dma_semaphore, #tpu.memory_space<semaphore_mem>>
      %dma_wait3A_225 = arith.constant 0 : i32
      %dma_wait3A_226 = arith.constant 0 : i32
      %dma_wait3A_227 = arith.constant 0 : i32
      %dma_wait3A_228 = tpu.memref_slice %arg6[%rem3A_203, %dma_wait3A_225, %dma_wait3A_226, %dma_wait3A_227] : memref<2x4x80x128xf32, #tpu.memory_space<vmem>> -> memref<1x4x80x128xf32, #tpu.memory_space<vmem>>
      %dma_wait3A_229 = tpu.memref_squeeze %dma_wait3A_228 : memref<1x4x80x128xf32, #tpu.memory_space<vmem>> -> memref<4x80x128xf32, #tpu.memory_space<vmem>>
      %dma_wait3A_230 = arith.constant 0 : i32
      %dma_wait3A_231 = arith.constant 0 : i32
      %dma_wait3A_232 = tpu.memref_slice %arg2[%dma_wait3A_230, %mul3A_214, %dma_wait3A_231] : memref<4x100000x128xf32, #tpu.memory_space<hbm>> -> memref<4x80x128xf32, #tpu.memory_space<hbm>>
      tpu.wait_dma2 semaphore(%dma_wait3A_224 : memref<!tpu.dma_semaphore, #tpu.memory_space<semaphore_mem>>) src(%dma_wait3A_232 : memref<4x80x128xf32, #tpu.memory_space<hbm>>) dst(%dma_wait3A_229 : memref<4x80x128xf32, #tpu.memory_space<vmem>>)
      %ge3A_233 = arith.constant 2 : i32
      %ge3A_234 = arith.cmpi sge, %while3A_201, %ge3A_233 : i32
      %convert_element_type3A_235 = arith.extui %ge3A_234 : i1 to i32
      %cond3A_236 = arith.constant 0 : i32
      %cond3A_237 = arith.cmpi ne, %convert_element_type3A_235, %cond3A_236 : i32
      scf.if %cond3A_237 {
        %sub3A_313 = arith.constant 2 : i32
        %sub3A_314 = arith.subi %while3A_201, %sub3A_313 : i32
        %mul3A_315 = arith.constant 32 : i32
        %mul3A_316 = arith.muli %sub3A_314, %mul3A_315 : i32
        %add3A_317 = arith.addi %add3A, %mul3A_316 : i32
        %mul3A_318 = arith.constant 80 : i32
        %mul3A_319 = arith.muli %add3A_317, %mul3A_318 : i32
        %dma_wait3A_320 = arith.constant 0 : i32
        %dma_wait3A_321 = arith.constant 0 : i32
        %dma_wait3A_322 = tpu.memref_slice %arg7[%rem3A_203, %dma_wait3A_320, %dma_wait3A_321] : memref<2x80x128xf32, #tpu.memory_space<vmem>> -> memref<1x80x128xf32, #tpu.memory_space<vmem>>
        %dma_wait3A_323 = tpu.memref_squeeze %dma_wait3A_322 : memref<1x80x128xf32, #tpu.memory_space<vmem>> -> memref<80x128xf32, #tpu.memory_space<vmem>>
        %dma_wait3A_324 = arith.constant 0 : i32
        %dma_wait3A_325 = tpu.memref_slice %arg4[%mul3A_319, %dma_wait3A_324] : memref<100000x128xf32, #tpu.memory_space<hbm>> -> memref<80x128xf32, #tpu.memory_space<hbm>>
        %dma_wait3A_326 = tpu.memref_slice %arg11[%rem3A_203] : memref<2x!tpu.dma_semaphore, #tpu.memory_space<semaphore_mem>> -> memref<1x!tpu.dma_semaphore, #tpu.memory_space<semaphore_mem>>
        %dma_wait3A_327 = tpu.memref_squeeze %dma_wait3A_326 : memref<1x!tpu.dma_semaphore, #tpu.memory_space<semaphore_mem>> -> memref<!tpu.dma_semaphore, #tpu.memory_space<semaphore_mem>>
        %dma_wait3A_328 = arith.constant 0 : i32
        %dma_wait3A_329 = tpu.memref_slice %arg4[%mul3A_319, %dma_wait3A_328] : memref<100000x128xf32, #tpu.memory_space<hbm>> -> memref<80x128xf32, #tpu.memory_space<hbm>>
        %dma_wait3A_330 = arith.constant 0 : i32
        %dma_wait3A_331 = arith.constant 0 : i32
        %dma_wait3A_332 = tpu.memref_slice %arg7[%rem3A_203, %dma_wait3A_330, %dma_wait3A_331] : memref<2x80x128xf32, #tpu.memory_space<vmem>> -> memref<1x80x128xf32, #tpu.memory_space<vmem>>
        %dma_wait3A_333 = tpu.memref_squeeze %dma_wait3A_332 : memref<1x80x128xf32, #tpu.memory_space<vmem>> -> memref<80x128xf32, #tpu.memory_space<vmem>>
        tpu.wait_dma2 semaphore(%dma_wait3A_327 : memref<!tpu.dma_semaphore, #tpu.memory_space<semaphore_mem>>) src(%dma_wait3A_333 : memref<80x128xf32, #tpu.memory_space<vmem>>) dst(%dma_wait3A_329 : memref<80x128xf32, #tpu.memory_space<hbm>>)
        %sub3A_334 = arith.constant 2 : i32
        %sub3A_335 = arith.subi %while3A_201, %sub3A_334 : i32
        %mul3A_336 = arith.constant 256 : i32
        %mul3A_337 = arith.muli %rem3A_203, %mul3A_336 : i32
        %add3A_338 = arith.constant 0 : i32
        %add3A_339 = arith.addi %mul3A_337, %add3A_338 : i32
        %mul3A_340 = arith.constant 32 : i32
        %mul3A_341 = arith.muli %sub3A_335, %mul3A_340 : i32
        %add3A_342 = arith.addi %add3A, %mul3A_341 : i32
        %mul3A_343 = arith.constant 80 : i32
        %mul3A_344 = arith.muli %add3A_342, %mul3A_343 : i32
        %add3A_345 = arith.constant 0 : i32
        %add3A_346 = arith.addi %add3A_345, %mul3A_344 : i32
        %dma_wait3A_347 = tpu.memref_slice %arg8[%add3A_339] : memref<512xf32, #tpu.memory_space<vmem>> -> memref<80xf32, #tpu.memory_space<vmem>>
        %dma_wait3A_348 = tpu.memref_slice %arg5[%add3A_346] : memref<300000xf32, #tpu.memory_space<hbm>> -> memref<80xf32, #tpu.memory_space<hbm>>
        %dma_wait3A_349 = tpu.memref_slice %arg11[%rem3A_203] : memref<2x!tpu.dma_semaphore, #tpu.memory_space<semaphore_mem>> -> memref<1x!tpu.dma_semaphore, #tpu.memory_space<semaphore_mem>>
        %dma_wait3A_350 = tpu.memref_squeeze %dma_wait3A_349 : memref<1x!tpu.dma_semaphore, #tpu.memory_space<semaphore_mem>> -> memref<!tpu.dma_semaphore, #tpu.memory_space<semaphore_mem>>
        %dma_wait3A_351 = tpu.memref_slice %arg5[%add3A_346] : memref<300000xf32, #tpu.memory_space<hbm>> -> memref<80xf32, #tpu.memory_space<hbm>>
        %dma_wait3A_352 = tpu.memref_slice %arg8[%add3A_339] : memref<512xf32, #tpu.memory_space<vmem>> -> memref<80xf32, #tpu.memory_space<vmem>>
        tpu.wait_dma2 semaphore(%dma_wait3A_350 : memref<!tpu.dma_semaphore, #tpu.memory_space<semaphore_mem>>) src(%dma_wait3A_352 : memref<80xf32, #tpu.memory_space<vmem>>) dst(%dma_wait3A_351 : memref<80xf32, #tpu.memory_space<hbm>>)
        %sub3A_353 = arith.constant 2 : i32
        %sub3A_354 = arith.subi %while3A_201, %sub3A_353 : i32
        %mul3A_355 = arith.constant 256 : i32
        %mul3A_356 = arith.muli %rem3A_203, %mul3A_355 : i32
        %add3A_357 = arith.constant 80 : i32
        %add3A_358 = arith.addi %mul3A_356, %add3A_357 : i32
        %mul3A_359 = arith.constant 32 : i32
        %mul3A_360 = arith.muli %sub3A_354, %mul3A_359 : i32
        %add3A_361 = arith.addi %add3A, %mul3A_360 : i32
        %mul3A_362 = arith.constant 80 : i32
        %mul3A_363 = arith.muli %add3A_361, %mul3A_362 : i32
        %add3A_364 = arith.constant 100000 : i32
        %add3A_365 = arith.addi %add3A_364, %mul3A_363 : i32
        %dma_wait3A_366 = tpu.memref_slice %arg8[%add3A_358] : memref<512xf32, #tpu.memory_space<vmem>> -> memref<80xf32, #tpu.memory_space<vmem>>
        %dma_wait3A_367 = tpu.memref_slice %arg5[%add3A_365] : memref<300000xf32, #tpu.memory_space<hbm>> -> memref<80xf32, #tpu.memory_space<hbm>>
        %dma_wait3A_368 = tpu.memref_slice %arg11[%rem3A_203] : memref<2x!tpu.dma_semaphore, #tpu.memory_space<semaphore_mem>> -> memref<1x!tpu.dma_semaphore, #tpu.memory_space<semaphore_mem>>
        %dma_wait3A_369 = tpu.memref_squeeze %dma_wait3A_368 : memref<1x!tpu.dma_semaphore, #tpu.memory_space<semaphore_mem>> -> memref<!tpu.dma_semaphore, #tpu.memory_space<semaphore_mem>>
        %dma_wait3A_370 = tpu.memref_slice %arg5[%add3A_365] : memref<300000xf32, #tpu.memory_space<hbm>> -> memref<80xf32, #tpu.memory_space<hbm>>
        %dma_wait3A_371 = tpu.memref_slice %arg8[%add3A_358] : memref<512xf32, #tpu.memory_space<vmem>> -> memref<80xf32, #tpu.memory_space<vmem>>
        tpu.wait_dma2 semaphore(%dma_wait3A_369 : memref<!tpu.dma_semaphore, #tpu.memory_space<semaphore_mem>>) src(%dma_wait3A_371 : memref<80xf32, #tpu.memory_space<vmem>>) dst(%dma_wait3A_370 : memref<80xf32, #tpu.memory_space<hbm>>)
        %sub3A_372 = arith.constant 2 : i32
        %sub3A_373 = arith.subi %while3A_201, %sub3A_372 : i32
        %mul3A_374 = arith.constant 256 : i32
        %mul3A_375 = arith.muli %rem3A_203, %mul3A_374 : i32
        %add3A_376 = arith.constant 160 : i32
        %add3A_377 = arith.addi %mul3A_375, %add3A_376 : i32
        %mul3A_378 = arith.constant 32 : i32
        %mul3A_379 = arith.muli %sub3A_373, %mul3A_378 : i32
        %add3A_380 = arith.addi %add3A, %mul3A_379 : i32
        %mul3A_381 = arith.constant 80 : i32
        %mul3A_382 = arith.muli %add3A_380, %mul3A_381 : i32
        %add3A_383 = arith.constant 200000 : i32
        %add3A_384 = arith.addi %add3A_383, %mul3A_382 : i32
        %dma_wait3A_385 = tpu.memref_slice %arg8[%add3A_377] : memref<512xf32, #tpu.memory_space<vmem>> -> memref<80xf32, #tpu.memory_space<vmem>>
        %dma_wait3A_386 = tpu.memref_slice %arg5[%add3A_384] : memref<300000xf32, #tpu.memory_space<hbm>> -> memref<80xf32, #tpu.memory_space<hbm>>
        %dma_wait3A_387 = tpu.memref_slice %arg11[%rem3A_203] : memref<2x!tpu.dma_semaphore, #tpu.memory_space<semaphore_mem>> -> memref<1x!tpu.dma_semaphore, #tpu.memory_space<semaphore_mem>>
        %dma_wait3A_388 = tpu.memref_squeeze %dma_wait3A_387 : memref<1x!tpu.dma_semaphore, #tpu.memory_space<semaphore_mem>> -> memref<!tpu.dma_semaphore, #tpu.memory_space<semaphore_mem>>
        %dma_wait3A_389 = tpu.memref_slice %arg5[%add3A_384] : memref<300000xf32, #tpu.memory_space<hbm>> -> memref<80xf32, #tpu.memory_space<hbm>>
        %dma_wait3A_390 = tpu.memref_slice %arg8[%add3A_377] : memref<512xf32, #tpu.memory_space<vmem>> -> memref<80xf32, #tpu.memory_space<vmem>>
        tpu.wait_dma2 semaphore(%dma_wait3A_388 : memref<!tpu.dma_semaphore, #tpu.memory_space<semaphore_mem>>) src(%dma_wait3A_390 : memref<80xf32, #tpu.memory_space<vmem>>) dst(%dma_wait3A_389 : memref<80xf32, #tpu.memory_space<hbm>>)
      } else {
      }
      %scan3A = arith.constant 0 : i32
      %scan3A_238 = arith.constant 0 : i32
      %scan3A_239 = arith.constant 80 : i32
      %scan3A_240 = arith.addi %scan3A_238, %scan3A_239 : i32
      %scan3A_241 = arith.constant 1 : i32
      scf.for %scan3A_313 = %scan3A_238 to %scan3A_240 step %scan3A_241  : i32 {
        %get3A_314 = arith.constant 0 : i32
        %get3A_315 = arith.index_cast %rem3A_203 : i32 to index
        %get3A_316 = arith.index_cast %get3A_314 : i32 to index
        %get3A_317 = arith.index_cast %scan3A_313 : i32 to index
        %get3A_318 = arith.constant 0 : index
        %get3A_319 = tpu.vector_load %arg6[%get3A_315, %get3A_316, %get3A_317, %get3A_318] {strides = array<i32>} : memref<2x4x80x128xf32, #tpu.memory_space<vmem>>, vector<16xf32>,
        %get3A_320 = arith.constant 0 : i32
        %get3A_321 = arith.index_cast %rem3A_203 : i32 to index
        %get3A_322 = arith.index_cast %get3A_320 : i32 to index
        %get3A_323 = arith.index_cast %scan3A_313 : i32 to index
        %get3A_324 = arith.constant 16 : index
        %get3A_325 = tpu.vector_load %arg6[%get3A_321, %get3A_322, %get3A_323, %get3A_324] {strides = array<i32>} : memref<2x4x80x128xf32, #tpu.memory_space<vmem>>, vector<16xf32>,
        %get3A_326 = arith.constant 0 : i32
        %get3A_327 = arith.index_cast %rem3A_203 : i32 to index
        %get3A_328 = arith.index_cast %get3A_326 : i32 to index
        %get3A_329 = arith.index_cast %scan3A_313 : i32 to index
        %get3A_330 = arith.constant 32 : index
        %get3A_331 = tpu.vector_load %arg6[%get3A_327, %get3A_328, %get3A_329, %get3A_330] {strides = array<i32>} : memref<2x4x80x128xf32, #tpu.memory_space<vmem>>, vector<16xf32>,
        %get3A_332 = arith.constant 0 : i32
        %get3A_333 = arith.index_cast %rem3A_203 : i32 to index
        %get3A_334 = arith.index_cast %get3A_332 : i32 to index
        %get3A_335 = arith.index_cast %scan3A_313 : i32 to index
        %get3A_336 = arith.constant 48 : index
        %get3A_337 = tpu.vector_load %arg6[%get3A_333, %get3A_334, %get3A_335, %get3A_336] {strides = array<i32>} : memref<2x4x80x128xf32, #tpu.memory_space<vmem>>, vector<16xf32>,
        %get3A_338 = arith.constant 0 : i32
        %get3A_339 = arith.index_cast %rem3A_203 : i32 to index
        %get3A_340 = arith.index_cast %get3A_338 : i32 to index
        %get3A_341 = arith.index_cast %scan3A_313 : i32 to index
        %get3A_342 = arith.constant 64 : index
        %get3A_343 = tpu.vector_load %arg6[%get3A_339, %get3A_340, %get3A_341, %get3A_342] {strides = array<i32>} : memref<2x4x80x128xf32, #tpu.memory_space<vmem>>, vector<16xf32>,
        %get3A_344 = arith.constant 0 : i32
        %get3A_345 = arith.index_cast %rem3A_203 : i32 to index
        %get3A_346 = arith.index_cast %get3A_344 : i32 to index
        %get3A_347 = arith.index_cast %scan3A_313 : i32 to index
        %get3A_348 = arith.constant 80 : index
        %get3A_349 = tpu.vector_load %arg6[%get3A_345, %get3A_346, %get3A_347, %get3A_348] {strides = array<i32>} : memref<2x4x80x128xf32, #tpu.memory_space<vmem>>, vector<16xf32>,
        %get3A_350 = arith.constant 0 : i32
        %get3A_351 = arith.index_cast %rem3A_203 : i32 to index
        %get3A_352 = arith.index_cast %get3A_350 : i32 to index
        %get3A_353 = arith.index_cast %scan3A_313 : i32 to index
        %get3A_354 = arith.constant 96 : index
        %get3A_355 = tpu.vector_load %arg6[%get3A_351, %get3A_352, %get3A_353, %get3A_354] {strides = array<i32>} : memref<2x4x80x128xf32, #tpu.memory_space<vmem>>, vector<16xf32>,
        %get3A_356 = arith.constant 0 : i32
        %get3A_357 = arith.index_cast %rem3A_203 : i32 to index
        %get3A_358 = arith.index_cast %get3A_356 : i32 to index
        %get3A_359 = arith.index_cast %scan3A_313 : i32 to index
        %get3A_360 = arith.constant 112 : index
        %get3A_361 = tpu.vector_load %arg6[%get3A_357, %get3A_358, %get3A_359, %get3A_360] {strides = array<i32>} : memref<2x4x80x128xf32, #tpu.memory_space<vmem>>, vector<16xf32>,
        %get3A_362 = arith.constant 1 : i32
        %get3A_363 = arith.index_cast %rem3A_203 : i32 to index
        %get3A_364 = arith.index_cast %get3A_362 : i32 to index
        %get3A_365 = arith.index_cast %scan3A_313 : i32 to index
        %get3A_366 = arith.constant 0 : index
        %get3A_367 = tpu.vector_load %arg6[%get3A_363, %get3A_364, %get3A_365, %get3A_366] {strides = array<i32>} : memref<2x4x80x128xf32, #tpu.memory_space<vmem>>, vector<16xf32>,
        %get3A_368 = arith.constant 1 : i32
        %get3A_369 = arith.index_cast %rem3A_203 : i32 to index
        %get3A_370 = arith.index_cast %get3A_368 : i32 to index
        %get3A_371 = arith.index_cast %scan3A_313 : i32 to index
        %get3A_372 = arith.constant 16 : index
        %get3A_373 = tpu.vector_load %arg6[%get3A_369, %get3A_370, %get3A_371, %get3A_372] {strides = array<i32>} : memref<2x4x80x128xf32, #tpu.memory_space<vmem>>, vector<16xf32>,
        %get3A_374 = arith.constant 1 : i32
        %get3A_375 = arith.index_cast %rem3A_203 : i32 to index
        %get3A_376 = arith.index_cast %get3A_374 : i32 to index
        %get3A_377 = arith.index_cast %scan3A_313 : i32 to index
        %get3A_378 = arith.constant 32 : index
        %get3A_379 = tpu.vector_load %arg6[%get3A_375, %get3A_376, %get3A_377, %get3A_378] {strides = array<i32>} : memref<2x4x80x128xf32, #tpu.memory_space<vmem>>, vector<16xf32>,
        %get3A_380 = arith.constant 1 : i32
        %get3A_381 = arith.index_cast %rem3A_203 : i32 to index
        %get3A_382 = arith.index_cast %get3A_380 : i32 to index
        %get3A_383 = arith.index_cast %scan3A_313 : i32 to index
        %get3A_384 = arith.constant 48 : index
        %get3A_385 = tpu.vector_load %arg6[%get3A_381, %get3A_382, %get3A_383, %get3A_384] {strides = array<i32>} : memref<2x4x80x128xf32, #tpu.memory_space<vmem>>, vector<16xf32>,
        %get3A_386 = arith.constant 1 : i32
        %get3A_387 = arith.index_cast %rem3A_203 : i32 to index
        %get3A_388 = arith.index_cast %get3A_386 : i32 to index
        %get3A_389 = arith.index_cast %scan3A_313 : i32 to index
        %get3A_390 = arith.constant 64 : index
        %get3A_391 = tpu.vector_load %arg6[%get3A_387, %get3A_388, %get3A_389, %get3A_390] {strides = array<i32>} : memref<2x4x80x128xf32, #tpu.memory_space<vmem>>, vector<16xf32>,
        %get3A_392 = arith.constant 1 : i32
        %get3A_393 = arith.index_cast %rem3A_203 : i32 to index
        %get3A_394 = arith.index_cast %get3A_392 : i32 to index
        %get3A_395 = arith.index_cast %scan3A_313 : i32 to index
        %get3A_396 = arith.constant 80 : index
        %get3A_397 = tpu.vector_load %arg6[%get3A_393, %get3A_394, %get3A_395, %get3A_396] {strides = array<i32>} : memref<2x4x80x128xf32, #tpu.memory_space<vmem>>, vector<16xf32>,
        %get3A_398 = arith.constant 1 : i32
        %get3A_399 = arith.index_cast %rem3A_203 : i32 to index
        %get3A_400 = arith.index_cast %get3A_398 : i32 to index
        %get3A_401 = arith.index_cast %scan3A_313 : i32 to index
        %get3A_402 = arith.constant 96 : index
        %get3A_403 = tpu.vector_load %arg6[%get3A_399, %get3A_400, %get3A_401, %get3A_402] {strides = array<i32>} : memref<2x4x80x128xf32, #tpu.memory_space<vmem>>, vector<16xf32>,
        %get3A_404 = arith.constant 1 : i32
        %get3A_405 = arith.index_cast %rem3A_203 : i32 to index
        %get3A_406 = arith.index_cast %get3A_404 : i32 to index
        %get3A_407 = arith.index_cast %scan3A_313 : i32 to index
        %get3A_408 = arith.constant 112 : index
        %get3A_409 = tpu.vector_load %arg6[%get3A_405, %get3A_406, %get3A_407, %get3A_408] {strides = array<i32>} : memref<2x4x80x128xf32, #tpu.memory_space<vmem>>, vector<16xf32>,
        %get3A_410 = arith.constant 2 : i32
        %get3A_411 = arith.index_cast %rem3A_203 : i32 to index
        %get3A_412 = arith.index_cast %get3A_410 : i32 to index
        %get3A_413 = arith.index_cast %scan3A_313 : i32 to index
        %get3A_414 = arith.constant 0 : index
        %get3A_415 = tpu.vector_load %arg6[%get3A_411, %get3A_412, %get3A_413, %get3A_414] {strides = array<i32>} : memref<2x4x80x128xf32, #tpu.memory_space<vmem>>, vector<16xf32>,
        %get3A_416 = arith.constant 2 : i32
        %get3A_417 = arith.index_cast %rem3A_203 : i32 to index
        %get3A_418 = arith.index_cast %get3A_416 : i32 to index
        %get3A_419 = arith.index_cast %scan3A_313 : i32 to index
        %get3A_420 = arith.constant 16 : index
        %get3A_421 = tpu.vector_load %arg6[%get3A_417, %get3A_418, %get3A_419, %get3A_420] {strides = array<i32>} : memref<2x4x80x128xf32, #tpu.memory_space<vmem>>, vector<16xf32>,
        %get3A_422 = arith.constant 2 : i32
        %get3A_423 = arith.index_cast %rem3A_203 : i32 to index
        %get3A_424 = arith.index_cast %get3A_422 : i32 to index
        %get3A_425 = arith.index_cast %scan3A_313 : i32 to index
        %get3A_426 = arith.constant 32 : index
        %get3A_427 = tpu.vector_load %arg6[%get3A_423, %get3A_424, %get3A_425, %get3A_426] {strides = array<i32>} : memref<2x4x80x128xf32, #tpu.memory_space<vmem>>, vector<16xf32>,
        %get3A_428 = arith.constant 2 : i32
        %get3A_429 = arith.index_cast %rem3A_203 : i32 to index
        %get3A_430 = arith.index_cast %get3A_428 : i32 to index
        %get3A_431 = arith.index_cast %scan3A_313 : i32 to index
        %get3A_432 = arith.constant 48 : index
        %get3A_433 = tpu.vector_load %arg6[%get3A_429, %get3A_430, %get3A_431, %get3A_432] {strides = array<i32>} : memref<2x4x80x128xf32, #tpu.memory_space<vmem>>, vector<16xf32>,
        %get3A_434 = arith.constant 2 : i32
        %get3A_435 = arith.index_cast %rem3A_203 : i32 to index
        %get3A_436 = arith.index_cast %get3A_434 : i32 to index
        %get3A_437 = arith.index_cast %scan3A_313 : i32 to index
        %get3A_438 = arith.constant 64 : index
        %get3A_439 = tpu.vector_load %arg6[%get3A_435, %get3A_436, %get3A_437, %get3A_438] {strides = array<i32>} : memref<2x4x80x128xf32, #tpu.memory_space<vmem>>, vector<16xf32>,
        %get3A_440 = arith.constant 2 : i32
        %get3A_441 = arith.index_cast %rem3A_203 : i32 to index
        %get3A_442 = arith.index_cast %get3A_440 : i32 to index
        %get3A_443 = arith.index_cast %scan3A_313 : i32 to index
        %get3A_444 = arith.constant 80 : index
        %get3A_445 = tpu.vector_load %arg6[%get3A_441, %get3A_442, %get3A_443, %get3A_444] {strides = array<i32>} : memref<2x4x80x128xf32, #tpu.memory_space<vmem>>, vector<16xf32>,
        %get3A_446 = arith.constant 2 : i32
        %get3A_447 = arith.index_cast %rem3A_203 : i32 to index
        %get3A_448 = arith.index_cast %get3A_446 : i32 to index
        %get3A_449 = arith.index_cast %scan3A_313 : i32 to index
        %get3A_450 = arith.constant 96 : index
        %get3A_451 = tpu.vector_load %arg6[%get3A_447, %get3A_448, %get3A_449, %get3A_450] {strides = array<i32>} : memref<2x4x80x128xf32, #tpu.memory_space<vmem>>, vector<16xf32>,
        %get3A_452 = arith.constant 2 : i32
        %get3A_453 = arith.index_cast %rem3A_203 : i32 to index
        %get3A_454 = arith.index_cast %get3A_452 : i32 to index
        %get3A_455 = arith.index_cast %scan3A_313 : i32 to index
        %get3A_456 = arith.constant 112 : index
        %get3A_457 = tpu.vector_load %arg6[%get3A_453, %get3A_454, %get3A_455, %get3A_456] {strides = array<i32>} : memref<2x4x80x128xf32, #tpu.memory_space<vmem>>, vector<16xf32>,
        %get3A_458 = arith.constant 3 : i32
        %get3A_459 = arith.index_cast %rem3A_203 : i32 to index
        %get3A_460 = arith.index_cast %get3A_458 : i32 to index
        %get3A_461 = arith.index_cast %scan3A_313 : i32 to index
        %get3A_462 = arith.constant 0 : index
        %get3A_463 = tpu.vector_load %arg6[%get3A_459, %get3A_460, %get3A_461, %get3A_462] {strides = array<i32>} : memref<2x4x80x128xf32, #tpu.memory_space<vmem>>, vector<16xf32>,
        %get3A_464 = arith.constant 3 : i32
        %get3A_465 = arith.index_cast %rem3A_203 : i32 to index
        %get3A_466 = arith.index_cast %get3A_464 : i32 to index
        %get3A_467 = arith.index_cast %scan3A_313 : i32 to index
        %get3A_468 = arith.constant 16 : index
        %get3A_469 = tpu.vector_load %arg6[%get3A_465, %get3A_466, %get3A_467, %get3A_468] {strides = array<i32>} : memref<2x4x80x128xf32, #tpu.memory_space<vmem>>, vector<16xf32>,
        %get3A_470 = arith.constant 3 : i32
        %get3A_471 = arith.index_cast %rem3A_203 : i32 to index
        %get3A_472 = arith.index_cast %get3A_470 : i32 to index
        %get3A_473 = arith.index_cast %scan3A_313 : i32 to index
        %get3A_474 = arith.constant 32 : index
        %get3A_475 = tpu.vector_load %arg6[%get3A_471, %get3A_472, %get3A_473, %get3A_474] {strides = array<i32>} : memref<2x4x80x128xf32, #tpu.memory_space<vmem>>, vector<16xf32>,
        %get3A_476 = arith.constant 3 : i32
        %get3A_477 = arith.index_cast %rem3A_203 : i32 to index
        %get3A_478 = arith.index_cast %get3A_476 : i32 to index
        %get3A_479 = arith.index_cast %scan3A_313 : i32 to index
        %get3A_480 = arith.constant 48 : index
        %get3A_481 = tpu.vector_load %arg6[%get3A_477, %get3A_478, %get3A_479, %get3A_480] {strides = array<i32>} : memref<2x4x80x128xf32, #tpu.memory_space<vmem>>, vector<16xf32>,
        %get3A_482 = arith.constant 3 : i32
        %get3A_483 = arith.index_cast %rem3A_203 : i32 to index
        %get3A_484 = arith.index_cast %get3A_482 : i32 to index
        %get3A_485 = arith.index_cast %scan3A_313 : i32 to index
        %get3A_486 = arith.constant 64 : index
        %get3A_487 = tpu.vector_load %arg6[%get3A_483, %get3A_484, %get3A_485, %get3A_486] {strides = array<i32>} : memref<2x4x80x128xf32, #tpu.memory_space<vmem>>, vector<16xf32>,
        %get3A_488 = arith.constant 3 : i32
        %get3A_489 = arith.index_cast %rem3A_203 : i32 to index
        %get3A_490 = arith.index_cast %get3A_488 : i32 to index
        %get3A_491 = arith.index_cast %scan3A_313 : i32 to index
        %get3A_492 = arith.constant 80 : index
        %get3A_493 = tpu.vector_load %arg6[%get3A_489, %get3A_490, %get3A_491, %get3A_492] {strides = array<i32>} : memref<2x4x80x128xf32, #tpu.memory_space<vmem>>, vector<16xf32>,
        %get3A_494 = arith.constant 3 : i32
        %get3A_495 = arith.index_cast %rem3A_203 : i32 to index
        %get3A_496 = arith.index_cast %get3A_494 : i32 to index
        %get3A_497 = arith.index_cast %scan3A_313 : i32 to index
        %get3A_498 = arith.constant 96 : index
        %get3A_499 = tpu.vector_load %arg6[%get3A_495, %get3A_496, %get3A_497, %get3A_498] {strides = array<i32>} : memref<2x4x80x128xf32, #tpu.memory_space<vmem>>, vector<16xf32>,
        %get3A_500 = arith.constant 3 : i32
        %get3A_501 = arith.index_cast %rem3A_203 : i32 to index
        %get3A_502 = arith.index_cast %get3A_500 : i32 to index
        %get3A_503 = arith.index_cast %scan3A_313 : i32 to index
        %get3A_504 = arith.constant 112 : index
        %get3A_505 = tpu.vector_load %arg6[%get3A_501, %get3A_502, %get3A_503, %get3A_504] {strides = array<i32>} : memref<2x4x80x128xf32, #tpu.memory_space<vmem>>, vector<16xf32>,
        %mul3A_506 = arith.mulf %get3A_319, %get3A_319 : vector<16xf32>
        %mul3A_507 = arith.mulf %get3A_325, %get3A_325 : vector<16xf32>
        %mul3A_508 = arith.mulf %get3A_331, %get3A_331 : vector<16xf32>
        %mul3A_509 = arith.mulf %get3A_337, %get3A_337 : vector<16xf32>
        %mul3A_510 = arith.mulf %get3A_343, %get3A_343 : vector<16xf32>
        %mul3A_511 = arith.mulf %get3A_349, %get3A_349 : vector<16xf32>
        %mul3A_512 = arith.mulf %get3A_355, %get3A_355 : vector<16xf32>
        %mul3A_513 = arith.mulf %get3A_361, %get3A_361 : vector<16xf32>
        %add3A_514 = arith.addf %mul3A_506, %mul3A_507 : vector<16xf32>
        %add3A_515 = arith.addf %mul3A_508, %mul3A_509 : vector<16xf32>
        %add3A_516 = arith.addf %mul3A_510, %mul3A_511 : vector<16xf32>
        %add3A_517 = arith.addf %mul3A_512, %mul3A_513 : vector<16xf32>
        %add3A_518 = arith.addf %add3A_514, %add3A_515 : vector<16xf32>
        %add3A_519 = arith.addf %add3A_516, %add3A_517 : vector<16xf32>
        %add3A_520 = arith.addf %add3A_518, %add3A_519 : vector<16xf32>
        %reduce_sum3A = arith.constant true
        %reduce_sum3A_521 = vector.broadcast %reduce_sum3A : i1 to vector<16xi1>
        %reduce_sum3A_522 = tpu.scan <sum>, %add3A_520 masked %reduce_sum3A_521 : vector<16xf32>, vector<16xi1> -> vector<16xf32>
        %reduce_sum3A_523 = vector.extract %reduce_sum3A_522[15] : f32 from vector<16xf32>
        %broadcast_in_dim3A_524 = vector.broadcast %reduce_sum3A_523 : f32 to vector<16xf32>
        %mul3A_525 = arith.mulf %get3A_367, %get3A_367 : vector<16xf32>
        %mul3A_526 = arith.mulf %get3A_373, %get3A_373 : vector<16xf32>
        %mul3A_527 = arith.mulf %get3A_379, %get3A_379 : vector<16xf32>
        %mul3A_528 = arith.mulf %get3A_385, %get3A_385 : vector<16xf32>
        %mul3A_529 = arith.mulf %get3A_391, %get3A_391 : vector<16xf32>
        %mul3A_530 = arith.mulf %get3A_397, %get3A_397 : vector<16xf32>
        %mul3A_531 = arith.mulf %get3A_403, %get3A_403 : vector<16xf32>
        %mul3A_532 = arith.mulf %get3A_409, %get3A_409 : vector<16xf32>
        %add3A_533 = arith.addf %mul3A_525, %mul3A_526 : vector<16xf32>
        %add3A_534 = arith.addf %mul3A_527, %mul3A_528 : vector<16xf32>
        %add3A_535 = arith.addf %mul3A_529, %mul3A_530 : vector<16xf32>
        %add3A_536 = arith.addf %mul3A_531, %mul3A_532 : vector<16xf32>
        %add3A_537 = arith.addf %add3A_533, %add3A_534 : vector<16xf32>
        %add3A_538 = arith.addf %add3A_535, %add3A_536 : vector<16xf32>
        %add3A_539 = arith.addf %add3A_537, %add3A_538 : vector<16xf32>
        %reduce_sum3A_540 = arith.constant true
        %reduce_sum3A_541 = vector.broadcast %reduce_sum3A_540 : i1 to vector<16xi1>
        %reduce_sum3A_542 = tpu.scan <sum>, %add3A_539 masked %reduce_sum3A_541 : vector<16xf32>, vector<16xi1> -> vector<16xf32>
        %reduce_sum3A_543 = vector.extract %reduce_sum3A_542[15] : f32 from vector<16xf32>
        %broadcast_in_dim3A_544 = vector.broadcast %reduce_sum3A_543 : f32 to vector<16xf32>
        %mul3A_545 = arith.mulf %get3A_415, %get3A_415 : vector<16xf32>
        %mul3A_546 = arith.mulf %get3A_421, %get3A_421 : vector<16xf32>
        %mul3A_547 = arith.mulf %get3A_427, %get3A_427 : vector<16xf32>
        %mul3A_548 = arith.mulf %get3A_433, %get3A_433 : vector<16xf32>
        %mul3A_549 = arith.mulf %get3A_439, %get3A_439 : vector<16xf32>
        %mul3A_550 = arith.mulf %get3A_445, %get3A_445 : vector<16xf32>
        %mul3A_551 = arith.mulf %get3A_451, %get3A_451 : vector<16xf32>
        %mul3A_552 = arith.mulf %get3A_457, %get3A_457 : vector<16xf32>
        %add3A_553 = arith.addf %mul3A_545, %mul3A_546 : vector<16xf32>
        %add3A_554 = arith.addf %mul3A_547, %mul3A_548 : vector<16xf32>
        %add3A_555 = arith.addf %mul3A_549, %mul3A_550 : vector<16xf32>
        %add3A_556 = arith.addf %mul3A_551, %mul3A_552 : vector<16xf32>
        %add3A_557 = arith.addf %add3A_553, %add3A_554 : vector<16xf32>
        %add3A_558 = arith.addf %add3A_555, %add3A_556 : vector<16xf32>
        %add3A_559 = arith.addf %add3A_557, %add3A_558 : vector<16xf32>
        %reduce_sum3A_560 = arith.constant true
        %reduce_sum3A_561 = vector.broadcast %reduce_sum3A_560 : i1 to vector<16xi1>
        %reduce_sum3A_562 = tpu.scan <sum>, %add3A_559 masked %reduce_sum3A_561 : vector<16xf32>, vector<16xi1> -> vector<16xf32>
        %reduce_sum3A_563 = vector.extract %reduce_sum3A_562[15] : f32 from vector<16xf32>
        %broadcast_in_dim3A_564 = vector.broadcast %reduce_sum3A_563 : f32 to vector<16xf32>
        %mul3A_565 = arith.mulf %get3A_463, %get3A_463 : vector<16xf32>
        %mul3A_566 = arith.mulf %get3A_469, %get3A_469 : vector<16xf32>
        %mul3A_567 = arith.mulf %get3A_475, %get3A_475 : vector<16xf32>
        %mul3A_568 = arith.mulf %get3A_481, %get3A_481 : vector<16xf32>
        %mul3A_569 = arith.mulf %get3A_487, %get3A_487 : vector<16xf32>
        %mul3A_570 = arith.mulf %get3A_493, %get3A_493 : vector<16xf32>
        %mul3A_571 = arith.mulf %get3A_499, %get3A_499 : vector<16xf32>
        %mul3A_572 = arith.mulf %get3A_505, %get3A_505 : vector<16xf32>
        %add3A_573 = arith.addf %mul3A_565, %mul3A_566 : vector<16xf32>
        %add3A_574 = arith.addf %mul3A_567, %mul3A_568 : vector<16xf32>
        %add3A_575 = arith.addf %mul3A_569, %mul3A_570 : vector<16xf32>
        %add3A_576 = arith.addf %mul3A_571, %mul3A_572 : vector<16xf32>
        %add3A_577 = arith.addf %add3A_573, %add3A_574 : vector<16xf32>
        %add3A_578 = arith.addf %add3A_575, %add3A_576 : vector<16xf32>
        %add3A_579 = arith.addf %add3A_577, %add3A_578 : vector<16xf32>
        %reduce_sum3A_580 = arith.constant true
        %reduce_sum3A_581 = vector.broadcast %reduce_sum3A_580 : i1 to vector<16xi1>
        %reduce_sum3A_582 = tpu.scan <sum>, %add3A_579 masked %reduce_sum3A_581 : vector<16xf32>, vector<16xi1> -> vector<16xf32>
        %reduce_sum3A_583 = vector.extract %reduce_sum3A_582[15] : f32 from vector<16xf32>
        %broadcast_in_dim3A_584 = vector.broadcast %reduce_sum3A_583 : f32 to vector<16xf32>
        %mul3A_585 = arith.mulf %get3A_319, %get3A_17 : vector<16xf32>
        %mul3A_586 = arith.mulf %get3A_325, %get3A_19 : vector<16xf32>
        %mul3A_587 = arith.mulf %get3A_331, %get3A_21 : vector<16xf32>
        %mul3A_588 = arith.mulf %get3A_337, %get3A_23 : vector<16xf32>
        %mul3A_589 = arith.mulf %get3A_343, %get3A_25 : vector<16xf32>
        %mul3A_590 = arith.mulf %get3A_349, %get3A_27 : vector<16xf32>
        %mul3A_591 = arith.mulf %get3A_355, %get3A_29 : vector<16xf32>
        %mul3A_592 = arith.mulf %get3A_361, %get3A_31 : vector<16xf32>
        %add3A_593 = arith.addf %mul3A_585, %mul3A_586 : vector<16xf32>
        %add3A_594 = arith.addf %mul3A_587, %mul3A_588 : vector<16xf32>
        %add3A_595 = arith.addf %mul3A_589, %mul3A_590 : vector<16xf32>
        %add3A_596 = arith.addf %mul3A_591, %mul3A_592 : vector<16xf32>
        %add3A_597 = arith.addf %add3A_593, %add3A_594 : vector<16xf32>
        %add3A_598 = arith.addf %add3A_595, %add3A_596 : vector<16xf32>
        %add3A_599 = arith.addf %add3A_597, %add3A_598 : vector<16xf32>
        %reduce_sum3A_600 = arith.constant true
        %reduce_sum3A_601 = vector.broadcast %reduce_sum3A_600 : i1 to vector<16xi1>
        %reduce_sum3A_602 = tpu.scan <sum>, %add3A_599 masked %reduce_sum3A_601 : vector<16xf32>, vector<16xi1> -> vector<16xf32>
        %reduce_sum3A_603 = vector.extract %reduce_sum3A_602[15] : f32 from vector<16xf32>
        %broadcast_in_dim3A_604 = vector.broadcast %reduce_sum3A_603 : f32 to vector<16xf32>
        %mul3A_605 = arith.mulf %get3A_367, %get3A_1 : vector<16xf32>
        %mul3A_606 = arith.mulf %get3A_373, %get3A_3 : vector<16xf32>
        %mul3A_607 = arith.mulf %get3A_379, %get3A_5 : vector<16xf32>
        %mul3A_608 = arith.mulf %get3A_385, %get3A_7 : vector<16xf32>
        %mul3A_609 = arith.mulf %get3A_391, %get3A_9 : vector<16xf32>
        %mul3A_610 = arith.mulf %get3A_397, %get3A_11 : vector<16xf32>
        %mul3A_611 = arith.mulf %get3A_403, %get3A_13 : vector<16xf32>
        %mul3A_612 = arith.mulf %get3A_409, %get3A_15 : vector<16xf32>
        %add3A_613 = arith.addf %mul3A_605, %mul3A_606 : vector<16xf32>
        %add3A_614 = arith.addf %mul3A_607, %mul3A_608 : vector<16xf32>
        %add3A_615 = arith.addf %mul3A_609, %mul3A_610 : vector<16xf32>
        %add3A_616 = arith.addf %mul3A_611, %mul3A_612 : vector<16xf32>
        %add3A_617 = arith.addf %add3A_613, %add3A_614 : vector<16xf32>
        %add3A_618 = arith.addf %add3A_615, %add3A_616 : vector<16xf32>
        %add3A_619 = arith.addf %add3A_617, %add3A_618 : vector<16xf32>
        %reduce_sum3A_620 = arith.constant true
        %reduce_sum3A_621 = vector.broadcast %reduce_sum3A_620 : i1 to vector<16xi1>
        %reduce_sum3A_622 = tpu.scan <sum>, %add3A_619 masked %reduce_sum3A_621 : vector<16xf32>, vector<16xi1> -> vector<16xf32>
        %reduce_sum3A_623 = vector.extract %reduce_sum3A_622[15] : f32 from vector<16xf32>
        %broadcast_in_dim3A_624 = vector.broadcast %reduce_sum3A_623 : f32 to vector<16xf32>
        %mul3A_625 = arith.mulf %get3A_415, %get3A_1 : vector<16xf32>
        %mul3A_626 = arith.mulf %get3A_421, %get3A_3 : vector<16xf32>
        %mul3A_627 = arith.mulf %get3A_427, %get3A_5 : vector<16xf32>
        %mul3A_628 = arith.mulf %get3A_433, %get3A_7 : vector<16xf32>
        %mul3A_629 = arith.mulf %get3A_439, %get3A_9 : vector<16xf32>
        %mul3A_630 = arith.mulf %get3A_445, %get3A_11 : vector<16xf32>
        %mul3A_631 = arith.mulf %get3A_451, %get3A_13 : vector<16xf32>
        %mul3A_632 = arith.mulf %get3A_457, %get3A_15 : vector<16xf32>
        %add3A_633 = arith.addf %mul3A_625, %mul3A_626 : vector<16xf32>
        %add3A_634 = arith.addf %mul3A_627, %mul3A_628 : vector<16xf32>
        %add3A_635 = arith.addf %mul3A_629, %mul3A_630 : vector<16xf32>
        %add3A_636 = arith.addf %mul3A_631, %mul3A_632 : vector<16xf32>
        %add3A_637 = arith.addf %add3A_633, %add3A_634 : vector<16xf32>
        %add3A_638 = arith.addf %add3A_635, %add3A_636 : vector<16xf32>
        %add3A_639 = arith.addf %add3A_637, %add3A_638 : vector<16xf32>
        %reduce_sum3A_640 = arith.constant true
        %reduce_sum3A_641 = vector.broadcast %reduce_sum3A_640 : i1 to vector<16xi1>
        %reduce_sum3A_642 = tpu.scan <sum>, %add3A_639 masked %reduce_sum3A_641 : vector<16xf32>, vector<16xi1> -> vector<16xf32>
        %reduce_sum3A_643 = vector.extract %reduce_sum3A_642[15] : f32 from vector<16xf32>
        %broadcast_in_dim3A_644 = vector.broadcast %reduce_sum3A_643 : f32 to vector<16xf32>
        %mul3A_645 = arith.mulf %get3A_463, %get3A_1 : vector<16xf32>
        %mul3A_646 = arith.mulf %get3A_469, %get3A_3 : vector<16xf32>
        %mul3A_647 = arith.mulf %get3A_475, %get3A_5 : vector<16xf32>
        %mul3A_648 = arith.mulf %get3A_481, %get3A_7 : vector<16xf32>
        %mul3A_649 = arith.mulf %get3A_487, %get3A_9 : vector<16xf32>
        %mul3A_650 = arith.mulf %get3A_493, %get3A_11 : vector<16xf32>
        %mul3A_651 = arith.mulf %get3A_499, %get3A_13 : vector<16xf32>
        %mul3A_652 = arith.mulf %get3A_505, %get3A_15 : vector<16xf32>
        %add3A_653 = arith.addf %mul3A_645, %mul3A_646 : vector<16xf32>
        %add3A_654 = arith.addf %mul3A_647, %mul3A_648 : vector<16xf32>
        %add3A_655 = arith.addf %mul3A_649, %mul3A_650 : vector<16xf32>
        %add3A_656 = arith.addf %mul3A_651, %mul3A_652 : vector<16xf32>
        %add3A_657 = arith.addf %add3A_653, %add3A_654 : vector<16xf32>
        %add3A_658 = arith.addf %add3A_655, %add3A_656 : vector<16xf32>
        %add3A_659 = arith.addf %add3A_657, %add3A_658 : vector<16xf32>
        %reduce_sum3A_660 = arith.constant true
        %reduce_sum3A_661 = vector.broadcast %reduce_sum3A_660 : i1 to vector<16xi1>
        %reduce_sum3A_662 = tpu.scan <sum>, %add3A_659 masked %reduce_sum3A_661 : vector<16xf32>, vector<16xi1> -> vector<16xf32>
        %reduce_sum3A_663 = vector.extract %reduce_sum3A_662[15] : f32 from vector<16xf32>
        %broadcast_in_dim3A_664 = vector.broadcast %reduce_sum3A_663 : f32 to vector<16xf32>
        %select_n3A_665 = arith.select %lt3A_38, %broadcast_in_dim3A_524, %broadcast_in_dim3A_544 : vector<16xi1>, vector<16xf32>
        %select_n3A_666 = arith.select %lt3A_41, %broadcast_in_dim3A_564, %broadcast_in_dim3A_584 : vector<16xi1>, vector<16xf32>
        %select_n3A_667 = arith.select %lt3A_35, %select_n3A_665, %select_n3A_666 : vector<16xi1>, vector<16xf32>
        %max3A = arith.constant 1.000000e-24 : f32
        %max3A_668 = vector.broadcast %max3A : f32 to vector<16xf32>
        %max3A_669 = arith.maximumf %select_n3A_667, %max3A_668 : vector<16xf32>
        %bitcast_convert_type3A = tpu.bitcast %max3A_669 : vector<16xf32> -> vector<16xi32>
        %shift_right_logical3A = arith.constant 1 : i32
        %shift_right_logical3A_670 = vector.broadcast %shift_right_logical3A : i32 to vector<16xi32>
        %shift_right_logical3A_671 = arith.shrui %bitcast_convert_type3A, %shift_right_logical3A_670 : vector<16xi32>
        %sub3A_672 = arith.constant 1597463007 : i32
        %sub3A_673 = vector.broadcast %sub3A_672 : i32 to vector<16xi32>
        %sub3A_674 = arith.subi %sub3A_673, %shift_right_logical3A_671 : vector<16xi32>
        %bitcast_convert_type3A_675 = tpu.bitcast %sub3A_674 : vector<16xi32> -> vector<16xf32>
        %mul3A_676 = arith.constant 5.000000e-01 : f32
        %mul3A_677 = vector.broadcast %mul3A_676 : f32 to vector<16xf32>
        %mul3A_678 = arith.mulf %mul3A_677, %max3A_669 : vector<16xf32>
        %mul3A_679 = arith.mulf %mul3A_678, %bitcast_convert_type3A_675 : vector<16xf32>
        %mul3A_680 = arith.mulf %mul3A_679, %bitcast_convert_type3A_675 : vector<16xf32>
        %sub3A_681 = arith.constant 1.500000e+00 : f32
        %sub3A_682 = vector.broadcast %sub3A_681 : f32 to vector<16xf32>
        %sub3A_683 = arith.subf %sub3A_682, %mul3A_680 : vector<16xf32>
        %mul3A_684 = arith.mulf %bitcast_convert_type3A_675, %sub3A_683 : vector<16xf32>
        %mul3A_685 = arith.constant 5.000000e-01 : f32
        %mul3A_686 = vector.broadcast %mul3A_685 : f32 to vector<16xf32>
        %mul3A_687 = arith.mulf %mul3A_686, %max3A_669 : vector<16xf32>
        %mul3A_688 = arith.mulf %mul3A_687, %mul3A_684 : vector<16xf32>
        %mul3A_689 = arith.mulf %mul3A_688, %mul3A_684 : vector<16xf32>
        %sub3A_690 = arith.constant 1.500000e+00 : f32
        %sub3A_691 = vector.broadcast %sub3A_690 : f32 to vector<16xf32>
        %sub3A_692 = arith.subf %sub3A_691, %mul3A_689 : vector<16xf32>
        %mul3A_693 = arith.mulf %mul3A_684, %sub3A_692 : vector<16xf32>
        %lt3A_694 = arith.constant 0 : i32
        %lt3A_695 = vector.broadcast %lt3A_694 : i32 to vector<16xi32>
        %lt3A_696 = arith.cmpi slt, %add3A_47, %lt3A_695 : vector<16xi32>
        %add3A_697 = arith.constant 16 : i32
        %add3A_698 = vector.broadcast %add3A_697 : i32 to vector<16xi32>
        %add3A_699 = arith.addi %add3A_47, %add3A_698 : vector<16xi32>
        %select_n3A_700 = arith.select %lt3A_696, %add3A_699, %add3A_47 : vector<16xi1>, vector<16xi32>
        %reshape3A = vector.shape_cast %select_n3A_700 : vector<16xi32> to vector<16x1xi32>
        %gather3A = vector.shape_cast %reshape3A : vector<16x1xi32> to vector<16xi32>
        %gather3A_701 = tpu.dynamic_gather %mul3A_693[%gather3A] in [0] : vector<16xf32>, vector<16xi32> -> vector<16xf32>
        %lt3A_702 = arith.constant 0 : i32
        %lt3A_703 = vector.broadcast %lt3A_702 : i32 to vector<16xi32>
        %lt3A_704 = arith.cmpi slt, %add3A_53, %lt3A_703 : vector<16xi32>
        %add3A_705 = arith.constant 16 : i32
        %add3A_706 = vector.broadcast %add3A_705 : i32 to vector<16xi32>
        %add3A_707 = arith.addi %add3A_53, %add3A_706 : vector<16xi32>
        %select_n3A_708 = arith.select %lt3A_704, %add3A_707, %add3A_53 : vector<16xi1>, vector<16xi32>
        %reshape3A_709 = vector.shape_cast %select_n3A_708 : vector<16xi32> to vector<16x1xi32>
        %gather3A_710 = vector.shape_cast %reshape3A_709 : vector<16x1xi32> to vector<16xi32>
        %gather3A_711 = tpu.dynamic_gather %mul3A_693[%gather3A_710] in [0] : vector<16xf32>, vector<16xi32> -> vector<16xf32>
        %lt3A_712 = arith.constant 0 : i32
        %lt3A_713 = vector.broadcast %lt3A_712 : i32 to vector<16xi32>
        %lt3A_714 = arith.cmpi slt, %add3A_59, %lt3A_713 : vector<16xi32>
        %add3A_715 = arith.constant 16 : i32
        %add3A_716 = vector.broadcast %add3A_715 : i32 to vector<16xi32>
        %add3A_717 = arith.addi %add3A_59, %add3A_716 : vector<16xi32>
        %select_n3A_718 = arith.select %lt3A_714, %add3A_717, %add3A_59 : vector<16xi1>, vector<16xi32>
        %reshape3A_719 = vector.shape_cast %select_n3A_718 : vector<16xi32> to vector<16x1xi32>
        %gather3A_720 = vector.shape_cast %reshape3A_719 : vector<16x1xi32> to vector<16xi32>
        %gather3A_721 = tpu.dynamic_gather %mul3A_693[%gather3A_720] in [0] : vector<16xf32>, vector<16xi32> -> vector<16xf32>
        %lt3A_722 = arith.constant 0 : i32
        %lt3A_723 = vector.broadcast %lt3A_722 : i32 to vector<16xi32>
        %lt3A_724 = arith.cmpi slt, %add3A_65, %lt3A_723 : vector<16xi32>
        %add3A_725 = arith.constant 16 : i32
        %add3A_726 = vector.broadcast %add3A_725 : i32 to vector<16xi32>
        %add3A_727 = arith.addi %add3A_65, %add3A_726 : vector<16xi32>
        %select_n3A_728 = arith.select %lt3A_724, %add3A_727, %add3A_65 : vector<16xi1>, vector<16xi32>
        %reshape3A_729 = vector.shape_cast %select_n3A_728 : vector<16xi32> to vector<16x1xi32>
        %gather3A_730 = vector.shape_cast %reshape3A_729 : vector<16x1xi32> to vector<16xi32>
        %gather3A_731 = tpu.dynamic_gather %mul3A_693[%gather3A_730] in [0] : vector<16xf32>, vector<16xi32> -> vector<16xf32>
        %mul3A_732 = arith.mulf %broadcast_in_dim3A_604, %gather3A_701 : vector<16xf32>
        %mul3A_733 = arith.mulf %broadcast_in_dim3A_624, %gather3A_711 : vector<16xf32>
        %add3A_734 = arith.addf %mul3A_733, %mul3A_732 : vector<16xf32>
        %add3A_735 = arith.addf %add3A_734, %broadcast_in_dim3A : vector<16xf32>
        %mul3A_736 = arith.mulf %broadcast_in_dim3A_644, %gather3A_721 : vector<16xf32>
        %add3A_737 = arith.addf %mul3A_736, %mul3A_732 : vector<16xf32>
        %add3A_738 = arith.addf %add3A_737, %broadcast_in_dim3A : vector<16xf32>
        %mul3A_739 = arith.mulf %broadcast_in_dim3A_664, %gather3A_731 : vector<16xf32>
        %add3A_740 = arith.addf %mul3A_739, %mul3A_732 : vector<16xf32>
        %add3A_741 = arith.addf %add3A_740, %broadcast_in_dim3A : vector<16xf32>
        %ge3A_742 = arith.constant 0.000000e+00 : f32
        %ge3A_743 = vector.broadcast %ge3A_742 : f32 to vector<16xf32>
        %ge3A_744 = arith.cmpf oge, %add3A_735, %ge3A_743 : vector<16xf32>
        %mul3A_745 = arith.constant 0.00999999977 : f32
        %mul3A_746 = vector.broadcast %mul3A_745 : f32 to vector<16xf32>
        %mul3A_747 = arith.mulf %mul3A_746, %add3A_735 : vector<16xf32>
        %select_n3A_748 = arith.select %ge3A_744, %add3A_735, %mul3A_747 : vector<16xi1>, vector<16xf32>
        %ge3A_749 = arith.constant 0.000000e+00 : f32
        %ge3A_750 = vector.broadcast %ge3A_749 : f32 to vector<16xf32>
        %ge3A_751 = arith.cmpf oge, %add3A_738, %ge3A_750 : vector<16xf32>
        %mul3A_752 = arith.constant 0.00999999977 : f32
        %mul3A_753 = vector.broadcast %mul3A_752 : f32 to vector<16xf32>
        %mul3A_754 = arith.mulf %mul3A_753, %add3A_738 : vector<16xf32>
        %select_n3A_755 = arith.select %ge3A_751, %add3A_738, %mul3A_754 : vector<16xi1>, vector<16xf32>
        %ge3A_756 = arith.constant 0.000000e+00 : f32
        %ge3A_757 = vector.broadcast %ge3A_756 : f32 to vector<16xf32>
        %ge3A_758 = arith.cmpf oge, %add3A_741, %ge3A_757 : vector<16xf32>
        %mul3A_759 = arith.constant 0.00999999977 : f32
        %mul3A_760 = vector.broadcast %mul3A_759 : f32 to vector<16xf32>
        %mul3A_761 = arith.mulf %mul3A_760, %add3A_741 : vector<16xf32>
        %select_n3A_762 = arith.select %ge3A_758, %add3A_741, %mul3A_761 : vector<16xi1>, vector<16xf32>
        %max3A_763 = arith.maximumf %select_n3A_748, %select_n3A_755 : vector<16xf32>
        %max3A_764 = arith.maximumf %max3A_763, %select_n3A_762 : vector<16xf32>
        %sub3A_765 = arith.subf %select_n3A_748, %max3A_764 : vector<16xf32>
        %exp3A = math.exp %sub3A_765 : vector<16xf32>
        %sub3A_766 = arith.subf %select_n3A_755, %max3A_764 : vector<16xf32>
        %exp3A_767 = math.exp %sub3A_766 : vector<16xf32>
        %sub3A_768 = arith.subf %select_n3A_762, %max3A_764 : vector<16xf32>
        %exp3A_769 = math.exp %sub3A_768 : vector<16xf32>
        %add3A_770 = arith.addf %exp3A, %exp3A_767 : vector<16xf32>
        %add3A_771 = arith.addf %add3A_770, %exp3A_769 : vector<16xf32>
        %add3A_772 = arith.constant 1.000000e-16 : f32
        %add3A_773 = vector.broadcast %add3A_772 : f32 to vector<16xf32>
        %add3A_774 = arith.addf %add3A_771, %add3A_773 : vector<16xf32>
        %div3A_775 = arith.divf %exp3A, %add3A_774 : vector<16xf32>
        %div3A_776 = arith.divf %exp3A_767, %add3A_774 : vector<16xf32>
        %div3A_777 = arith.divf %exp3A_769, %add3A_774 : vector<16xf32>
        %mul3A_778 = arith.mulf %div3A_775, %gather3A_711 : vector<16xf32>
        %mul3A_779 = arith.mulf %div3A_776, %gather3A_721 : vector<16xf32>
        %mul3A_780 = arith.mulf %div3A_777, %gather3A_731 : vector<16xf32>
        %mul3A_781 = arith.mulf %get3A_319, %gather3A_701 : vector<16xf32>
        %mul3A_782 = arith.mulf %mul3A_778, %get3A_367 : vector<16xf32>
        %add3A_783 = arith.addf %mul3A_781, %mul3A_782 : vector<16xf32>
        %mul3A_784 = arith.mulf %mul3A_779, %get3A_415 : vector<16xf32>
        %add3A_785 = arith.addf %add3A_783, %mul3A_784 : vector<16xf32>
        %mul3A_786 = arith.mulf %mul3A_780, %get3A_463 : vector<16xf32>
        %add3A_787 = arith.addf %add3A_785, %mul3A_786 : vector<16xf32>
        %swap3A = arith.index_cast %rem3A_203 : i32 to index
        %swap3A_788 = arith.index_cast %scan3A_313 : i32 to index
        %swap3A_789 = arith.constant 0 : index
        %swap3A_790 = tpu.vector_load %arg7[%swap3A, %swap3A_788, %swap3A_789] {strides = array<i32>} : memref<2x80x128xf32, #tpu.memory_space<vmem>>, vector<16xf32>,
        tpu.vector_store %arg7[%swap3A, %swap3A_788, %swap3A_789], %add3A_787 {strides = array<i32>} : memref<2x80x128xf32, #tpu.memory_space<vmem>>, vector<16xf32>,
        %mul3A_791 = arith.mulf %get3A_325, %gather3A_701 : vector<16xf32>
        %mul3A_792 = arith.mulf %mul3A_778, %get3A_373 : vector<16xf32>
        %add3A_793 = arith.addf %mul3A_791, %mul3A_792 : vector<16xf32>
        %mul3A_794 = arith.mulf %mul3A_779, %get3A_421 : vector<16xf32>
        %add3A_795 = arith.addf %add3A_793, %mul3A_794 : vector<16xf32>
        %mul3A_796 = arith.mulf %mul3A_780, %get3A_469 : vector<16xf32>
        %add3A_797 = arith.addf %add3A_795, %mul3A_796 : vector<16xf32>
        %swap3A_798 = arith.index_cast %rem3A_203 : i32 to index
        %swap3A_799 = arith.index_cast %scan3A_313 : i32 to index
        %swap3A_800 = arith.constant 16 : index
        %swap3A_801 = tpu.vector_load %arg7[%swap3A_798, %swap3A_799, %swap3A_800] {strides = array<i32>} : memref<2x80x128xf32, #tpu.memory_space<vmem>>, vector<16xf32>,
        tpu.vector_store %arg7[%swap3A_798, %swap3A_799, %swap3A_800], %add3A_797 {strides = array<i32>} : memref<2x80x128xf32, #tpu.memory_space<vmem>>, vector<16xf32>,
        %mul3A_802 = arith.mulf %get3A_331, %gather3A_701 : vector<16xf32>
        %mul3A_803 = arith.mulf %mul3A_778, %get3A_379 : vector<16xf32>
        %add3A_804 = arith.addf %mul3A_802, %mul3A_803 : vector<16xf32>
        %mul3A_805 = arith.mulf %mul3A_779, %get3A_427 : vector<16xf32>
        %add3A_806 = arith.addf %add3A_804, %mul3A_805 : vector<16xf32>
        %mul3A_807 = arith.mulf %mul3A_780, %get3A_475 : vector<16xf32>
        %add3A_808 = arith.addf %add3A_806, %mul3A_807 : vector<16xf32>
        %swap3A_809 = arith.index_cast %rem3A_203 : i32 to index
        %swap3A_810 = arith.index_cast %scan3A_313 : i32 to index
        %swap3A_811 = arith.constant 32 : index
        %swap3A_812 = tpu.vector_load %arg7[%swap3A_809, %swap3A_810, %swap3A_811] {strides = array<i32>} : memref<2x80x128xf32, #tpu.memory_space<vmem>>, vector<16xf32>,
        tpu.vector_store %arg7[%swap3A_809, %swap3A_810, %swap3A_811], %add3A_808 {strides = array<i32>} : memref<2x80x128xf32, #tpu.memory_space<vmem>>, vector<16xf32>,
        %mul3A_813 = arith.mulf %get3A_337, %gather3A_701 : vector<16xf32>
        %mul3A_814 = arith.mulf %mul3A_778, %get3A_385 : vector<16xf32>
        %add3A_815 = arith.addf %mul3A_813, %mul3A_814 : vector<16xf32>
        %mul3A_816 = arith.mulf %mul3A_779, %get3A_433 : vector<16xf32>
        %add3A_817 = arith.addf %add3A_815, %mul3A_816 : vector<16xf32>
        %mul3A_818 = arith.mulf %mul3A_780, %get3A_481 : vector<16xf32>
        %add3A_819 = arith.addf %add3A_817, %mul3A_818 : vector<16xf32>
        %swap3A_820 = arith.index_cast %rem3A_203 : i32 to index
        %swap3A_821 = arith.index_cast %scan3A_313 : i32 to index
        %swap3A_822 = arith.constant 48 : index
        %swap3A_823 = tpu.vector_load %arg7[%swap3A_820, %swap3A_821, %swap3A_822] {strides = array<i32>} : memref<2x80x128xf32, #tpu.memory_space<vmem>>, vector<16xf32>,
        tpu.vector_store %arg7[%swap3A_820, %swap3A_821, %swap3A_822], %add3A_819 {strides = array<i32>} : memref<2x80x128xf32, #tpu.memory_space<vmem>>, vector<16xf32>,
        %mul3A_824 = arith.mulf %get3A_343, %gather3A_701 : vector<16xf32>
        %mul3A_825 = arith.mulf %mul3A_778, %get3A_391 : vector<16xf32>
        %add3A_826 = arith.addf %mul3A_824, %mul3A_825 : vector<16xf32>
        %mul3A_827 = arith.mulf %mul3A_779, %get3A_439 : vector<16xf32>
        %add3A_828 = arith.addf %add3A_826, %mul3A_827 : vector<16xf32>
        %mul3A_829 = arith.mulf %mul3A_780, %get3A_487 : vector<16xf32>
        %add3A_830 = arith.addf %add3A_828, %mul3A_829 : vector<16xf32>
        %swap3A_831 = arith.index_cast %rem3A_203 : i32 to index
        %swap3A_832 = arith.index_cast %scan3A_313 : i32 to index
        %swap3A_833 = arith.constant 64 : index
        %swap3A_834 = tpu.vector_load %arg7[%swap3A_831, %swap3A_832, %swap3A_833] {strides = array<i32>} : memref<2x80x128xf32, #tpu.memory_space<vmem>>, vector<16xf32>,
        tpu.vector_store %arg7[%swap3A_831, %swap3A_832, %swap3A_833], %add3A_830 {strides = array<i32>} : memref<2x80x128xf32, #tpu.memory_space<vmem>>, vector<16xf32>,
        %mul3A_835 = arith.mulf %get3A_349, %gather3A_701 : vector<16xf32>
        %mul3A_836 = arith.mulf %mul3A_778, %get3A_397 : vector<16xf32>
        %add3A_837 = arith.addf %mul3A_835, %mul3A_836 : vector<16xf32>
        %mul3A_838 = arith.mulf %mul3A_779, %get3A_445 : vector<16xf32>
        %add3A_839 = arith.addf %add3A_837, %mul3A_838 : vector<16xf32>
        %mul3A_840 = arith.mulf %mul3A_780, %get3A_493 : vector<16xf32>
        %add3A_841 = arith.addf %add3A_839, %mul3A_840 : vector<16xf32>
        %swap3A_842 = arith.index_cast %rem3A_203 : i32 to index
        %swap3A_843 = arith.index_cast %scan3A_313 : i32 to index
        %swap3A_844 = arith.constant 80 : index
        %swap3A_845 = tpu.vector_load %arg7[%swap3A_842, %swap3A_843, %swap3A_844] {strides = array<i32>} : memref<2x80x128xf32, #tpu.memory_space<vmem>>, vector<16xf32>,
        tpu.vector_store %arg7[%swap3A_842, %swap3A_843, %swap3A_844], %add3A_841 {strides = array<i32>} : memref<2x80x128xf32, #tpu.memory_space<vmem>>, vector<16xf32>,
        %mul3A_846 = arith.mulf %get3A_355, %gather3A_701 : vector<16xf32>
        %mul3A_847 = arith.mulf %mul3A_778, %get3A_403 : vector<16xf32>
        %add3A_848 = arith.addf %mul3A_846, %mul3A_847 : vector<16xf32>
        %mul3A_849 = arith.mulf %mul3A_779, %get3A_451 : vector<16xf32>
        %add3A_850 = arith.addf %add3A_848, %mul3A_849 : vector<16xf32>
        %mul3A_851 = arith.mulf %mul3A_780, %get3A_499 : vector<16xf32>
        %add3A_852 = arith.addf %add3A_850, %mul3A_851 : vector<16xf32>
        %swap3A_853 = arith.index_cast %rem3A_203 : i32 to index
        %swap3A_854 = arith.index_cast %scan3A_313 : i32 to index
        %swap3A_855 = arith.constant 96 : index
        %swap3A_856 = tpu.vector_load %arg7[%swap3A_853, %swap3A_854, %swap3A_855] {strides = array<i32>} : memref<2x80x128xf32, #tpu.memory_space<vmem>>, vector<16xf32>,
        tpu.vector_store %arg7[%swap3A_853, %swap3A_854, %swap3A_855], %add3A_852 {strides = array<i32>} : memref<2x80x128xf32, #tpu.memory_space<vmem>>, vector<16xf32>,
        %mul3A_857 = arith.mulf %get3A_361, %gather3A_701 : vector<16xf32>
        %mul3A_858 = arith.mulf %mul3A_778, %get3A_409 : vector<16xf32>
        %add3A_859 = arith.addf %mul3A_857, %mul3A_858 : vector<16xf32>
        %mul3A_860 = arith.mulf %mul3A_779, %get3A_457 : vector<16xf32>
        %add3A_861 = arith.addf %add3A_859, %mul3A_860 : vector<16xf32>
        %mul3A_862 = arith.mulf %mul3A_780, %get3A_505 : vector<16xf32>
        %add3A_863 = arith.addf %add3A_861, %mul3A_862 : vector<16xf32>
        %swap3A_864 = arith.index_cast %rem3A_203 : i32 to index
        %swap3A_865 = arith.index_cast %scan3A_313 : i32 to index
        %swap3A_866 = arith.constant 112 : index
        %swap3A_867 = tpu.vector_load %arg7[%swap3A_864, %swap3A_865, %swap3A_866] {strides = array<i32>} : memref<2x80x128xf32, #tpu.memory_space<vmem>>, vector<16xf32>,
        tpu.vector_store %arg7[%swap3A_864, %swap3A_865, %swap3A_866], %add3A_863 {strides = array<i32>} : memref<2x80x128xf32, #tpu.memory_space<vmem>>, vector<16xf32>,
        %mul3A_868 = arith.constant 256 : i32
        %mul3A_869 = arith.muli %rem3A_203, %mul3A_868 : i32
        %add3A_870 = arith.constant 0 : i32
        %add3A_871 = arith.addi %mul3A_869, %add3A_870 : i32
        %add3A_872 = arith.addi %add3A_871, %scan3A_313 : i32
        %swap3A_873 = arith.index_cast %add3A_872 : i32 to index
        %swap3A_874 = tpu.vector_load %arg8[%swap3A_873] masked %eq3A_33 {strides = array<i32>} : memref<512xf32, #tpu.memory_space<vmem>>, vector<16xf32>, vector<16xi1>
        tpu.vector_store %arg8[%swap3A_873], %div3A_775 masked %eq3A_33 {strides = array<i32>} : memref<512xf32, #tpu.memory_space<vmem>>, vector<16xf32>, vector<16xi1>
        %mul3A_875 = arith.constant 256 : i32
        %mul3A_876 = arith.muli %rem3A_203, %mul3A_875 : i32
        %add3A_877 = arith.constant 80 : i32
        %add3A_878 = arith.addi %mul3A_876, %add3A_877 : i32
        %add3A_879 = arith.addi %add3A_878, %scan3A_313 : i32
        %swap3A_880 = arith.index_cast %add3A_879 : i32 to index
        %swap3A_881 = tpu.vector_load %arg8[%swap3A_880] masked %eq3A_33 {strides = array<i32>} : memref<512xf32, #tpu.memory_space<vmem>>, vector<16xf32>, vector<16xi1>
        tpu.vector_store %arg8[%swap3A_880], %div3A_776 masked %eq3A_33 {strides = array<i32>} : memref<512xf32, #tpu.memory_space<vmem>>, vector<16xf32>, vector<16xi1>
        %mul3A_882 = arith.constant 256 : i32
        %mul3A_883 = arith.muli %rem3A_203, %mul3A_882 : i32
        %add3A_884 = arith.constant 160 : i32
        %add3A_885 = arith.addi %mul3A_883, %add3A_884 : i32
        %add3A_886 = arith.addi %add3A_885, %scan3A_313 : i32
        %swap3A_887 = arith.index_cast %add3A_886 : i32 to index
        %swap3A_888 = tpu.vector_load %arg8[%swap3A_887] masked %eq3A_33 {strides = array<i32>} : memref<512xf32, #tpu.memory_space<vmem>>, vector<16xf32>, vector<16xi1>
        tpu.vector_store %arg8[%swap3A_887], %div3A_777 masked %eq3A_33 {strides = array<i32>} : memref<512xf32, #tpu.memory_space<vmem>>, vector<16xf32>, vector<16xi1>
      }
      %scan3A_242 = arith.constant 80 : i32
      %mul3A_243 = arith.constant 32 : i32
      %mul3A_244 = arith.muli %while3A_201, %mul3A_243 : i32
      %add3A_245 = arith.addi %add3A, %mul3A_244 : i32
      %mul3A_246 = arith.constant 80 : i32
      %mul3A_247 = arith.muli %add3A_245, %mul3A_246 : i32
      %dma_start3A_248 = arith.constant 0 : i32
      %dma_start3A_249 = arith.constant 0 : i32
      %dma_start3A_250 = tpu.memref_slice %arg7[%rem3A_203, %dma_start3A_248, %dma_start3A_249] : memref<2x80x128xf32, #tpu.memory_space<vmem>> -> memref<1x80x128xf32, #tpu.memory_space<vmem>>
      %dma_start3A_251 = tpu.memref_squeeze %dma_start3A_250 : memref<1x80x128xf32, #tpu.memory_space<vmem>> -> memref<80x128xf32, #tpu.memory_space<vmem>>
      %dma_start3A_252 = arith.constant 0 : i32
      %dma_start3A_253 = tpu.memref_slice %arg4[%mul3A_247, %dma_start3A_252] : memref<100000x128xf32, #tpu.memory_space<hbm>> -> memref<80x128xf32, #tpu.memory_space<hbm>>
      %dma_start3A_254 = tpu.memref_slice %arg11[%rem3A_203] : memref<2x!tpu.dma_semaphore, #tpu.memory_space<semaphore_mem>> -> memref<1x!tpu.dma_semaphore, #tpu.memory_space<semaphore_mem>>
      %dma_start3A_255 = tpu.memref_squeeze %dma_start3A_254 : memref<1x!tpu.dma_semaphore, #tpu.memory_space<semaphore_mem>> -> memref<!tpu.dma_semaphore, #tpu.memory_space<semaphore_mem>>
      %dma_start3A_256 = arith.constant 0 : i32
      %dma_start3A_257 = tpu.memref_slice %arg4[%mul3A_247, %dma_start3A_256] : memref<100000x128xf32, #tpu.memory_space<hbm>> -> memref<80x128xf32, #tpu.memory_space<hbm>>
      %dma_start3A_258 = arith.constant 0 : i32
      %dma_start3A_259 = arith.constant 0 : i32
      %dma_start3A_260 = tpu.memref_slice %arg7[%rem3A_203, %dma_start3A_258, %dma_start3A_259] : memref<2x80x128xf32, #tpu.memory_space<vmem>> -> memref<1x80x128xf32, #tpu.memory_space<vmem>>
      %dma_start3A_261 = tpu.memref_squeeze %dma_start3A_260 : memref<1x80x128xf32, #tpu.memory_space<vmem>> -> memref<80x128xf32, #tpu.memory_space<vmem>>
      tpu.enqueue_dma source(%dma_start3A_261 : memref<80x128xf32, #tpu.memory_space<vmem>>) target(%dma_start3A_257 : memref<80x128xf32, #tpu.memory_space<hbm>>) target_semaphore(%dma_start3A_255 : memref<!tpu.dma_semaphore, #tpu.memory_space<semaphore_mem>>)
      %mul3A_262 = arith.constant 256 : i32
      %mul3A_263 = arith.muli %rem3A_203, %mul3A_262 : i32
      %add3A_264 = arith.constant 0 : i32
      %add3A_265 = arith.addi %mul3A_263, %add3A_264 : i32
      %mul3A_266 = arith.constant 32 : i32
      %mul3A_267 = arith.muli %while3A_201, %mul3A_266 : i32
      %add3A_268 = arith.addi %add3A, %mul3A_267 : i32
      %mul3A_269 = arith.constant 80 : i32
      %mul3A_270 = arith.muli %add3A_268, %mul3A_269 : i32
      %add3A_271 = arith.constant 0 : i32
      %add3A_272 = arith.addi %add3A_271, %mul3A_270 : i32
      %dma_start3A_273 = tpu.memref_slice %arg8[%add3A_265] : memref<512xf32, #tpu.memory_space<vmem>> -> memref<80xf32, #tpu.memory_space<vmem>>
      %dma_start3A_274 = tpu.memref_slice %arg5[%add3A_272] : memref<300000xf32, #tpu.memory_space<hbm>> -> memref<80xf32, #tpu.memory_space<hbm>>
      %dma_start3A_275 = tpu.memref_slice %arg11[%rem3A_203] : memref<2x!tpu.dma_semaphore, #tpu.memory_space<semaphore_mem>> -> memref<1x!tpu.dma_semaphore, #tpu.memory_space<semaphore_mem>>
      %dma_start3A_276 = tpu.memref_squeeze %dma_start3A_275 : memref<1x!tpu.dma_semaphore, #tpu.memory_space<semaphore_mem>> -> memref<!tpu.dma_semaphore, #tpu.memory_space<semaphore_mem>>
      %dma_start3A_277 = tpu.memref_slice %arg5[%add3A_272] : memref<300000xf32, #tpu.memory_space<hbm>> -> memref<80xf32, #tpu.memory_space<hbm>>
      %dma_start3A_278 = tpu.memref_slice %arg8[%add3A_265] : memref<512xf32, #tpu.memory_space<vmem>> -> memref<80xf32, #tpu.memory_space<vmem>>
      tpu.enqueue_dma source(%dma_start3A_278 : memref<80xf32, #tpu.memory_space<vmem>>) target(%dma_start3A_277 : memref<80xf32, #tpu.memory_space<hbm>>) target_semaphore(%dma_start3A_276 : memref<!tpu.dma_semaphore, #tpu.memory_space<semaphore_mem>>)
      %mul3A_279 = arith.constant 256 : i32
      %mul3A_280 = arith.muli %rem3A_203, %mul3A_279 : i32
      %add3A_281 = arith.constant 80 : i32
      %add3A_282 = arith.addi %mul3A_280, %add3A_281 : i32
      %mul3A_283 = arith.constant 32 : i32
      %mul3A_284 = arith.muli %while3A_201, %mul3A_283 : i32
      %add3A_285 = arith.addi %add3A, %mul3A_284 : i32
      %mul3A_286 = arith.constant 80 : i32
      %mul3A_287 = arith.muli %add3A_285, %mul3A_286 : i32
      %add3A_288 = arith.constant 100000 : i32
      %add3A_289 = arith.addi %add3A_288, %mul3A_287 : i32
      %dma_start3A_290 = tpu.memref_slice %arg8[%add3A_282] : memref<512xf32, #tpu.memory_space<vmem>> -> memref<80xf32, #tpu.memory_space<vmem>>
      %dma_start3A_291 = tpu.memref_slice %arg5[%add3A_289] : memref<300000xf32, #tpu.memory_space<hbm>> -> memref<80xf32, #tpu.memory_space<hbm>>
      %dma_start3A_292 = tpu.memref_slice %arg11[%rem3A_203] : memref<2x!tpu.dma_semaphore, #tpu.memory_space<semaphore_mem>> -> memref<1x!tpu.dma_semaphore, #tpu.memory_space<semaphore_mem>>
      %dma_start3A_293 = tpu.memref_squeeze %dma_start3A_292 : memref<1x!tpu.dma_semaphore, #tpu.memory_space<semaphore_mem>> -> memref<!tpu.dma_semaphore, #tpu.memory_space<semaphore_mem>>
      %dma_start3A_294 = tpu.memref_slice %arg5[%add3A_289] : memref<300000xf32, #tpu.memory_space<hbm>> -> memref<80xf32, #tpu.memory_space<hbm>>
      %dma_start3A_295 = tpu.memref_slice %arg8[%add3A_282] : memref<512xf32, #tpu.memory_space<vmem>> -> memref<80xf32, #tpu.memory_space<vmem>>
      tpu.enqueue_dma source(%dma_start3A_295 : memref<80xf32, #tpu.memory_space<vmem>>) target(%dma_start3A_294 : memref<80xf32, #tpu.memory_space<hbm>>) target_semaphore(%dma_start3A_293 : memref<!tpu.dma_semaphore, #tpu.memory_space<semaphore_mem>>)
      %mul3A_296 = arith.constant 256 : i32
      %mul3A_297 = arith.muli %rem3A_203, %mul3A_296 : i32
      %add3A_298 = arith.constant 160 : i32
      %add3A_299 = arith.addi %mul3A_297, %add3A_298 : i32
      %mul3A_300 = arith.constant 32 : i32
      %mul3A_301 = arith.muli %while3A_201, %mul3A_300 : i32
      %add3A_302 = arith.addi %add3A, %mul3A_301 : i32
      %mul3A_303 = arith.constant 80 : i32
      %mul3A_304 = arith.muli %add3A_302, %mul3A_303 : i32
      %add3A_305 = arith.constant 200000 : i32
      %add3A_306 = arith.addi %add3A_305, %mul3A_304 : i32
      %dma_start3A_307 = tpu.memref_slice %arg8[%add3A_299] : memref<512xf32, #tpu.memory_space<vmem>> -> memref<80xf32, #tpu.memory_space<vmem>>
      %dma_start3A_308 = tpu.memref_slice %arg5[%add3A_306] : memref<300000xf32, #tpu.memory_space<hbm>> -> memref<80xf32, #tpu.memory_space<hbm>>
      %dma_start3A_309 = tpu.memref_slice %arg11[%rem3A_203] : memref<2x!tpu.dma_semaphore, #tpu.memory_space<semaphore_mem>> -> memref<1x!tpu.dma_semaphore, #tpu.memory_space<semaphore_mem>>
      %dma_start3A_310 = tpu.memref_squeeze %dma_start3A_309 : memref<1x!tpu.dma_semaphore, #tpu.memory_space<semaphore_mem>> -> memref<!tpu.dma_semaphore, #tpu.memory_space<semaphore_mem>>
      %dma_start3A_311 = tpu.memref_slice %arg5[%add3A_306] : memref<300000xf32, #tpu.memory_space<hbm>> -> memref<80xf32, #tpu.memory_space<hbm>>
      %dma_start3A_312 = tpu.memref_slice %arg8[%add3A_299] : memref<512xf32, #tpu.memory_space<vmem>> -> memref<80xf32, #tpu.memory_space<vmem>>
      tpu.enqueue_dma source(%dma_start3A_312 : memref<80xf32, #tpu.memory_space<vmem>>) target(%dma_start3A_311 : memref<80xf32, #tpu.memory_space<hbm>>) target_semaphore(%dma_start3A_310 : memref<!tpu.dma_semaphore, #tpu.memory_space<semaphore_mem>>)
    }
    %while3A_117 = arith.constant 1 : i32
    scf.for %while3A_201 = %while3A_115 to %while3A_111 step %while3A_117  : i32 {
      %rem3A_202 = arith.constant 2 : i32
      %rem3A_203 = arith.remsi %while3A_201, %rem3A_202 : i32
      %add3A_204 = arith.constant 1 : i32
      %add3A_205 = arith.addi %while3A_201, %add3A_204 : i32
      %lt3A_206 = arith.cmpi slt, %add3A_205, %select_n3A : i32
      %convert_element_type3A_207 = arith.extui %lt3A_206 : i1 to i32
      %cond3A_208 = arith.constant 0 : i32
      %cond3A_209 = arith.cmpi ne, %convert_element_type3A_207, %cond3A_208 : i32
      scf.if %cond3A_209 {
        %add3A_313 = arith.constant 1 : i32
        %add3A_314 = arith.addi %while3A_201, %add3A_313 : i32
        %sub3A_315 = arith.constant 1 : i32
        %sub3A_316 = arith.subi %sub3A_315, %rem3A_203 : i32
        %mul3A_317 = arith.constant 32 : i32
        %mul3A_318 = arith.muli %add3A_314, %mul3A_317 : i32
        %add3A_319 = arith.addi %add3A, %mul3A_318 : i32
        %mul3A_320 = arith.constant 80 : i32
        %mul3A_321 = arith.muli %add3A_319, %mul3A_320 : i32
        %dma_start3A_322 = arith.constant 0 : i32
        %dma_start3A_323 = arith.constant 0 : i32
        %dma_start3A_324 = arith.constant 0 : i32
        %dma_start3A_325 = tpu.memref_slice %arg6[%sub3A_316, %dma_start3A_322, %dma_start3A_323, %dma_start3A_324] : memref<2x4x80x128xf32, #tpu.memory_space<vmem>> -> memref<1x4x80x128xf32, #tpu.memory_space<vmem>>
        %dma_start3A_326 = tpu.memref_squeeze %dma_start3A_325 : memref<1x4x80x128xf32, #tpu.memory_space<vmem>> -> memref<4x80x128xf32, #tpu.memory_space<vmem>>
        %dma_start3A_327 = arith.constant 0 : i32
        %dma_start3A_328 = arith.constant 0 : i32
        %dma_start3A_329 = tpu.memref_slice %arg2[%dma_start3A_327, %mul3A_321, %dma_start3A_328] : memref<4x100000x128xf32, #tpu.memory_space<hbm>> -> memref<4x80x128xf32, #tpu.memory_space<hbm>>
        %dma_start3A_330 = tpu.memref_slice %arg10[%sub3A_316] : memref<2x!tpu.dma_semaphore, #tpu.memory_space<semaphore_mem>> -> memref<1x!tpu.dma_semaphore, #tpu.memory_space<semaphore_mem>>
        %dma_start3A_331 = tpu.memref_squeeze %dma_start3A_330 : memref<1x!tpu.dma_semaphore, #tpu.memory_space<semaphore_mem>> -> memref<!tpu.dma_semaphore, #tpu.memory_space<semaphore_mem>>
        %dma_start3A_332 = arith.constant 0 : i32
        %dma_start3A_333 = arith.constant 0 : i32
        %dma_start3A_334 = arith.constant 0 : i32
        %dma_start3A_335 = tpu.memref_slice %arg6[%sub3A_316, %dma_start3A_332, %dma_start3A_333, %dma_start3A_334] : memref<2x4x80x128xf32, #tpu.memory_space<vmem>> -> memref<1x4x80x128xf32, #tpu.memory_space<vmem>>
        %dma_start3A_336 = tpu.memref_squeeze %dma_start3A_335 : memref<1x4x80x128xf32, #tpu.memory_space<vmem>> -> memref<4x80x128xf32, #tpu.memory_space<vmem>>
        %dma_start3A_337 = arith.constant 0 : i32
        %dma_start3A_338 = arith.constant 0 : i32
        %dma_start3A_339 = tpu.memref_slice %arg2[%dma_start3A_337, %mul3A_321, %dma_start3A_338] : memref<4x100000x128xf32, #tpu.memory_space<hbm>> -> memref<4x80x128xf32, #tpu.memory_space<hbm>>
        tpu.enqueue_dma source(%dma_start3A_339 : memref<4x80x128xf32, #tpu.memory_space<hbm>>) target(%dma_start3A_336 : memref<4x80x128xf32, #tpu.memory_space<vmem>>) target_semaphore(%dma_start3A_331 : memref<!tpu.dma_semaphore, #tpu.memory_space<semaphore_mem>>)
      } else {
      }
      %mul3A_210 = arith.constant 32 : i32
      %mul3A_211 = arith.muli %while3A_201, %mul3A_210 : i32
      %add3A_212 = arith.addi %add3A, %mul3A_211 : i32
      %mul3A_213 = arith.constant 80 : i32
      %mul3A_214 = arith.muli %add3A_212, %mul3A_213 : i32
      %dma_wait3A_215 = arith.constant 0 : i32
      %dma_wait3A_216 = arith.constant 0 : i32
      %dma_wait3A_217 = arith.constant 0 : i32
      %dma_wait3A_218 = tpu.memref_slice %arg6[%rem3A_203, %dma_wait3A_215, %dma_wait3A_216, %dma_wait3A_217] : memref<2x4x80x128xf32, #tpu.memory_space<vmem>> -> memref<1x4x80x128xf32, #tpu.memory_space<vmem>>
      %dma_wait3A_219 = tpu.memref_squeeze %dma_wait3A_218 : memref<1x4x80x128xf32, #tpu.memory_space<vmem>> -> memref<4x80x128xf32, #tpu.memory_space<vmem>>
      %dma_wait3A_220 = arith.constant 0 : i32
      %dma_wait3A_221 = arith.constant 0 : i32
      %dma_wait3A_222 = tpu.memref_slice %arg2[%dma_wait3A_220, %mul3A_214, %dma_wait3A_221] : memref<4x100000x128xf32, #tpu.memory_space<hbm>> -> memref<4x80x128xf32, #tpu.memory_space<hbm>>
      %dma_wait3A_223 = tpu.memref_slice %arg10[%rem3A_203] : memref<2x!tpu.dma_semaphore, #tpu.memory_space<semaphore_mem>> -> memref<1x!tpu.dma_semaphore, #tpu.memory_space<semaphore_mem>>
      %dma_wait3A_224 = tpu.memref_squeeze %dma_wait3A_223 : memref<1x!tpu.dma_semaphore, #tpu.memory_space<semaphore_mem>> -> memref<!tpu.dma_semaphore, #tpu.memory_space<semaphore_mem>>
      %dma_wait3A_225 = arith.constant 0 : i32
      %dma_wait3A_226 = arith.constant 0 : i32
      %dma_wait3A_227 = arith.constant 0 : i32
      %dma_wait3A_228 = tpu.memref_slice %arg6[%rem3A_203, %dma_wait3A_225, %dma_wait3A_226, %dma_wait3A_227] : memref<2x4x80x128xf32, #tpu.memory_space<vmem>> -> memref<1x4x80x128xf32, #tpu.memory_space<vmem>>
      %dma_wait3A_229 = tpu.memref_squeeze %dma_wait3A_228 : memref<1x4x80x128xf32, #tpu.memory_space<vmem>> -> memref<4x80x128xf32, #tpu.memory_space<vmem>>
      %dma_wait3A_230 = arith.constant 0 : i32
      %dma_wait3A_231 = arith.constant 0 : i32
      %dma_wait3A_232 = tpu.memref_slice %arg2[%dma_wait3A_230, %mul3A_214, %dma_wait3A_231] : memref<4x100000x128xf32, #tpu.memory_space<hbm>> -> memref<4x80x128xf32, #tpu.memory_space<hbm>>
      tpu.wait_dma2 semaphore(%dma_wait3A_224 : memref<!tpu.dma_semaphore, #tpu.memory_space<semaphore_mem>>) src(%dma_wait3A_232 : memref<4x80x128xf32, #tpu.memory_space<hbm>>) dst(%dma_wait3A_229 : memref<4x80x128xf32, #tpu.memory_space<vmem>>)
      %ge3A_233 = arith.constant 2 : i32
      %ge3A_234 = arith.cmpi sge, %while3A_201, %ge3A_233 : i32
      %convert_element_type3A_235 = arith.extui %ge3A_234 : i1 to i32
      %cond3A_236 = arith.constant 0 : i32
      %cond3A_237 = arith.cmpi ne, %convert_element_type3A_235, %cond3A_236 : i32
      scf.if %cond3A_237 {
        %sub3A_313 = arith.constant 2 : i32
        %sub3A_314 = arith.subi %while3A_201, %sub3A_313 : i32
        %mul3A_315 = arith.constant 32 : i32
        %mul3A_316 = arith.muli %sub3A_314, %mul3A_315 : i32
        %add3A_317 = arith.addi %add3A, %mul3A_316 : i32
        %mul3A_318 = arith.constant 80 : i32
        %mul3A_319 = arith.muli %add3A_317, %mul3A_318 : i32
        %dma_wait3A_320 = arith.constant 0 : i32
        %dma_wait3A_321 = arith.constant 0 : i32
        %dma_wait3A_322 = tpu.memref_slice %arg7[%rem3A_203, %dma_wait3A_320, %dma_wait3A_321] : memref<2x80x128xf32, #tpu.memory_space<vmem>> -> memref<1x80x128xf32, #tpu.memory_space<vmem>>
        %dma_wait3A_323 = tpu.memref_squeeze %dma_wait3A_322 : memref<1x80x128xf32, #tpu.memory_space<vmem>> -> memref<80x128xf32, #tpu.memory_space<vmem>>
        %dma_wait3A_324 = arith.constant 0 : i32
        %dma_wait3A_325 = tpu.memref_slice %arg4[%mul3A_319, %dma_wait3A_324] : memref<100000x128xf32, #tpu.memory_space<hbm>> -> memref<80x128xf32, #tpu.memory_space<hbm>>
        %dma_wait3A_326 = tpu.memref_slice %arg11[%rem3A_203] : memref<2x!tpu.dma_semaphore, #tpu.memory_space<semaphore_mem>> -> memref<1x!tpu.dma_semaphore, #tpu.memory_space<semaphore_mem>>
        %dma_wait3A_327 = tpu.memref_squeeze %dma_wait3A_326 : memref<1x!tpu.dma_semaphore, #tpu.memory_space<semaphore_mem>> -> memref<!tpu.dma_semaphore, #tpu.memory_space<semaphore_mem>>
        %dma_wait3A_328 = arith.constant 0 : i32
        %dma_wait3A_329 = tpu.memref_slice %arg4[%mul3A_319, %dma_wait3A_328] : memref<100000x128xf32, #tpu.memory_space<hbm>> -> memref<80x128xf32, #tpu.memory_space<hbm>>
        %dma_wait3A_330 = arith.constant 0 : i32
        %dma_wait3A_331 = arith.constant 0 : i32
        %dma_wait3A_332 = tpu.memref_slice %arg7[%rem3A_203, %dma_wait3A_330, %dma_wait3A_331] : memref<2x80x128xf32, #tpu.memory_space<vmem>> -> memref<1x80x128xf32, #tpu.memory_space<vmem>>
        %dma_wait3A_333 = tpu.memref_squeeze %dma_wait3A_332 : memref<1x80x128xf32, #tpu.memory_space<vmem>> -> memref<80x128xf32, #tpu.memory_space<vmem>>
        tpu.wait_dma2 semaphore(%dma_wait3A_327 : memref<!tpu.dma_semaphore, #tpu.memory_space<semaphore_mem>>) src(%dma_wait3A_333 : memref<80x128xf32, #tpu.memory_space<vmem>>) dst(%dma_wait3A_329 : memref<80x128xf32, #tpu.memory_space<hbm>>)
        %sub3A_334 = arith.constant 2 : i32
        %sub3A_335 = arith.subi %while3A_201, %sub3A_334 : i32
        %mul3A_336 = arith.constant 256 : i32
        %mul3A_337 = arith.muli %rem3A_203, %mul3A_336 : i32
        %add3A_338 = arith.constant 0 : i32
        %add3A_339 = arith.addi %mul3A_337, %add3A_338 : i32
        %mul3A_340 = arith.constant 32 : i32
        %mul3A_341 = arith.muli %sub3A_335, %mul3A_340 : i32
        %add3A_342 = arith.addi %add3A, %mul3A_341 : i32
        %mul3A_343 = arith.constant 80 : i32
        %mul3A_344 = arith.muli %add3A_342, %mul3A_343 : i32
        %add3A_345 = arith.constant 0 : i32
        %add3A_346 = arith.addi %add3A_345, %mul3A_344 : i32
        %dma_wait3A_347 = tpu.memref_slice %arg8[%add3A_339] : memref<512xf32, #tpu.memory_space<vmem>> -> memref<80xf32, #tpu.memory_space<vmem>>
        %dma_wait3A_348 = tpu.memref_slice %arg5[%add3A_346] : memref<300000xf32, #tpu.memory_space<hbm>> -> memref<80xf32, #tpu.memory_space<hbm>>
        %dma_wait3A_349 = tpu.memref_slice %arg11[%rem3A_203] : memref<2x!tpu.dma_semaphore, #tpu.memory_space<semaphore_mem>> -> memref<1x!tpu.dma_semaphore, #tpu.memory_space<semaphore_mem>>
        %dma_wait3A_350 = tpu.memref_squeeze %dma_wait3A_349 : memref<1x!tpu.dma_semaphore, #tpu.memory_space<semaphore_mem>> -> memref<!tpu.dma_semaphore, #tpu.memory_space<semaphore_mem>>
        %dma_wait3A_351 = tpu.memref_slice %arg5[%add3A_346] : memref<300000xf32, #tpu.memory_space<hbm>> -> memref<80xf32, #tpu.memory_space<hbm>>
        %dma_wait3A_352 = tpu.memref_slice %arg8[%add3A_339] : memref<512xf32, #tpu.memory_space<vmem>> -> memref<80xf32, #tpu.memory_space<vmem>>
        tpu.wait_dma2 semaphore(%dma_wait3A_350 : memref<!tpu.dma_semaphore, #tpu.memory_space<semaphore_mem>>) src(%dma_wait3A_352 : memref<80xf32, #tpu.memory_space<vmem>>) dst(%dma_wait3A_351 : memref<80xf32, #tpu.memory_space<hbm>>)
        %sub3A_353 = arith.constant 2 : i32
        %sub3A_354 = arith.subi %while3A_201, %sub3A_353 : i32
        %mul3A_355 = arith.constant 256 : i32
        %mul3A_356 = arith.muli %rem3A_203, %mul3A_355 : i32
        %add3A_357 = arith.constant 80 : i32
        %add3A_358 = arith.addi %mul3A_356, %add3A_357 : i32
        %mul3A_359 = arith.constant 32 : i32
        %mul3A_360 = arith.muli %sub3A_354, %mul3A_359 : i32
        %add3A_361 = arith.addi %add3A, %mul3A_360 : i32
        %mul3A_362 = arith.constant 80 : i32
        %mul3A_363 = arith.muli %add3A_361, %mul3A_362 : i32
        %add3A_364 = arith.constant 100000 : i32
        %add3A_365 = arith.addi %add3A_364, %mul3A_363 : i32
        %dma_wait3A_366 = tpu.memref_slice %arg8[%add3A_358] : memref<512xf32, #tpu.memory_space<vmem>> -> memref<80xf32, #tpu.memory_space<vmem>>
        %dma_wait3A_367 = tpu.memref_slice %arg5[%add3A_365] : memref<300000xf32, #tpu.memory_space<hbm>> -> memref<80xf32, #tpu.memory_space<hbm>>
        %dma_wait3A_368 = tpu.memref_slice %arg11[%rem3A_203] : memref<2x!tpu.dma_semaphore, #tpu.memory_space<semaphore_mem>> -> memref<1x!tpu.dma_semaphore, #tpu.memory_space<semaphore_mem>>
        %dma_wait3A_369 = tpu.memref_squeeze %dma_wait3A_368 : memref<1x!tpu.dma_semaphore, #tpu.memory_space<semaphore_mem>> -> memref<!tpu.dma_semaphore, #tpu.memory_space<semaphore_mem>>
        %dma_wait3A_370 = tpu.memref_slice %arg5[%add3A_365] : memref<300000xf32, #tpu.memory_space<hbm>> -> memref<80xf32, #tpu.memory_space<hbm>>
        %dma_wait3A_371 = tpu.memref_slice %arg8[%add3A_358] : memref<512xf32, #tpu.memory_space<vmem>> -> memref<80xf32, #tpu.memory_space<vmem>>
        tpu.wait_dma2 semaphore(%dma_wait3A_369 : memref<!tpu.dma_semaphore, #tpu.memory_space<semaphore_mem>>) src(%dma_wait3A_371 : memref<80xf32, #tpu.memory_space<vmem>>) dst(%dma_wait3A_370 : memref<80xf32, #tpu.memory_space<hbm>>)
        %sub3A_372 = arith.constant 2 : i32
        %sub3A_373 = arith.subi %while3A_201, %sub3A_372 : i32
        %mul3A_374 = arith.constant 256 : i32
        %mul3A_375 = arith.muli %rem3A_203, %mul3A_374 : i32
        %add3A_376 = arith.constant 160 : i32
        %add3A_377 = arith.addi %mul3A_375, %add3A_376 : i32
        %mul3A_378 = arith.constant 32 : i32
        %mul3A_379 = arith.muli %sub3A_373, %mul3A_378 : i32
        %add3A_380 = arith.addi %add3A, %mul3A_379 : i32
        %mul3A_381 = arith.constant 80 : i32
        %mul3A_382 = arith.muli %add3A_380, %mul3A_381 : i32
        %add3A_383 = arith.constant 200000 : i32
        %add3A_384 = arith.addi %add3A_383, %mul3A_382 : i32
        %dma_wait3A_385 = tpu.memref_slice %arg8[%add3A_377] : memref<512xf32, #tpu.memory_space<vmem>> -> memref<80xf32, #tpu.memory_space<vmem>>
        %dma_wait3A_386 = tpu.memref_slice %arg5[%add3A_384] : memref<300000xf32, #tpu.memory_space<hbm>> -> memref<80xf32, #tpu.memory_space<hbm>>
        %dma_wait3A_387 = tpu.memref_slice %arg11[%rem3A_203] : memref<2x!tpu.dma_semaphore, #tpu.memory_space<semaphore_mem>> -> memref<1x!tpu.dma_semaphore, #tpu.memory_space<semaphore_mem>>
        %dma_wait3A_388 = tpu.memref_squeeze %dma_wait3A_387 : memref<1x!tpu.dma_semaphore, #tpu.memory_space<semaphore_mem>> -> memref<!tpu.dma_semaphore, #tpu.memory_space<semaphore_mem>>
        %dma_wait3A_389 = tpu.memref_slice %arg5[%add3A_384] : memref<300000xf32, #tpu.memory_space<hbm>> -> memref<80xf32, #tpu.memory_space<hbm>>
        %dma_wait3A_390 = tpu.memref_slice %arg8[%add3A_377] : memref<512xf32, #tpu.memory_space<vmem>> -> memref<80xf32, #tpu.memory_space<vmem>>
        tpu.wait_dma2 semaphore(%dma_wait3A_388 : memref<!tpu.dma_semaphore, #tpu.memory_space<semaphore_mem>>) src(%dma_wait3A_390 : memref<80xf32, #tpu.memory_space<vmem>>) dst(%dma_wait3A_389 : memref<80xf32, #tpu.memory_space<hbm>>)
      } else {
      }
      %scan3A = arith.constant 0 : i32
      %scan3A_238 = arith.constant 0 : i32
      %scan3A_239 = arith.constant 80 : i32
      %scan3A_240 = arith.addi %scan3A_238, %scan3A_239 : i32
      %scan3A_241 = arith.constant 1 : i32
      scf.for %scan3A_313 = %scan3A_238 to %scan3A_240 step %scan3A_241  : i32 {
        %get3A_314 = arith.constant 0 : i32
        %get3A_315 = arith.index_cast %rem3A_203 : i32 to index
        %get3A_316 = arith.index_cast %get3A_314 : i32 to index
        %get3A_317 = arith.index_cast %scan3A_313 : i32 to index
        %get3A_318 = arith.constant 0 : index
        %get3A_319 = tpu.vector_load %arg6[%get3A_315, %get3A_316, %get3A_317, %get3A_318] {strides = array<i32>} : memref<2x4x80x128xf32, #tpu.memory_space<vmem>>, vector<16xf32>,
        %get3A_320 = arith.constant 0 : i32
        %get3A_321 = arith.index_cast %rem3A_203 : i32 to index
        %get3A_322 = arith.index_cast %get3A_320 : i32 to index
        %get3A_323 = arith.index_cast %scan3A_313 : i32 to index
        %get3A_324 = arith.constant 16 : index
        %get3A_325 = tpu.vector_load %arg6[%get3A_321, %get3A_322, %get3A_323, %get3A_324] {strides = array<i32>} : memref<2x4x80x128xf32, #tpu.memory_space<vmem>>, vector<16xf32>,
        %get3A_326 = arith.constant 0 : i32
        %get3A_327 = arith.index_cast %rem3A_203 : i32 to index
        %get3A_328 = arith.index_cast %get3A_326 : i32 to index
        %get3A_329 = arith.index_cast %scan3A_313 : i32 to index
        %get3A_330 = arith.constant 32 : index
        %get3A_331 = tpu.vector_load %arg6[%get3A_327, %get3A_328, %get3A_329, %get3A_330] {strides = array<i32>} : memref<2x4x80x128xf32, #tpu.memory_space<vmem>>, vector<16xf32>,
        %get3A_332 = arith.constant 0 : i32
        %get3A_333 = arith.index_cast %rem3A_203 : i32 to index
        %get3A_334 = arith.index_cast %get3A_332 : i32 to index
        %get3A_335 = arith.index_cast %scan3A_313 : i32 to index
        %get3A_336 = arith.constant 48 : index
        %get3A_337 = tpu.vector_load %arg6[%get3A_333, %get3A_334, %get3A_335, %get3A_336] {strides = array<i32>} : memref<2x4x80x128xf32, #tpu.memory_space<vmem>>, vector<16xf32>,
        %get3A_338 = arith.constant 0 : i32
        %get3A_339 = arith.index_cast %rem3A_203 : i32 to index
        %get3A_340 = arith.index_cast %get3A_338 : i32 to index
        %get3A_341 = arith.index_cast %scan3A_313 : i32 to index
        %get3A_342 = arith.constant 64 : index
        %get3A_343 = tpu.vector_load %arg6[%get3A_339, %get3A_340, %get3A_341, %get3A_342] {strides = array<i32>} : memref<2x4x80x128xf32, #tpu.memory_space<vmem>>, vector<16xf32>,
        %get3A_344 = arith.constant 0 : i32
        %get3A_345 = arith.index_cast %rem3A_203 : i32 to index
        %get3A_346 = arith.index_cast %get3A_344 : i32 to index
        %get3A_347 = arith.index_cast %scan3A_313 : i32 to index
        %get3A_348 = arith.constant 80 : index
        %get3A_349 = tpu.vector_load %arg6[%get3A_345, %get3A_346, %get3A_347, %get3A_348] {strides = array<i32>} : memref<2x4x80x128xf32, #tpu.memory_space<vmem>>, vector<16xf32>,
        %get3A_350 = arith.constant 0 : i32
        %get3A_351 = arith.index_cast %rem3A_203 : i32 to index
        %get3A_352 = arith.index_cast %get3A_350 : i32 to index
        %get3A_353 = arith.index_cast %scan3A_313 : i32 to index
        %get3A_354 = arith.constant 96 : index
        %get3A_355 = tpu.vector_load %arg6[%get3A_351, %get3A_352, %get3A_353, %get3A_354] {strides = array<i32>} : memref<2x4x80x128xf32, #tpu.memory_space<vmem>>, vector<16xf32>,
        %get3A_356 = arith.constant 0 : i32
        %get3A_357 = arith.index_cast %rem3A_203 : i32 to index
        %get3A_358 = arith.index_cast %get3A_356 : i32 to index
        %get3A_359 = arith.index_cast %scan3A_313 : i32 to index
        %get3A_360 = arith.constant 112 : index
        %get3A_361 = tpu.vector_load %arg6[%get3A_357, %get3A_358, %get3A_359, %get3A_360] {strides = array<i32>} : memref<2x4x80x128xf32, #tpu.memory_space<vmem>>, vector<16xf32>,
        %get3A_362 = arith.constant 1 : i32
        %get3A_363 = arith.index_cast %rem3A_203 : i32 to index
        %get3A_364 = arith.index_cast %get3A_362 : i32 to index
        %get3A_365 = arith.index_cast %scan3A_313 : i32 to index
        %get3A_366 = arith.constant 0 : index
        %get3A_367 = tpu.vector_load %arg6[%get3A_363, %get3A_364, %get3A_365, %get3A_366] {strides = array<i32>} : memref<2x4x80x128xf32, #tpu.memory_space<vmem>>, vector<16xf32>,
        %get3A_368 = arith.constant 1 : i32
        %get3A_369 = arith.index_cast %rem3A_203 : i32 to index
        %get3A_370 = arith.index_cast %get3A_368 : i32 to index
        %get3A_371 = arith.index_cast %scan3A_313 : i32 to index
        %get3A_372 = arith.constant 16 : index
        %get3A_373 = tpu.vector_load %arg6[%get3A_369, %get3A_370, %get3A_371, %get3A_372] {strides = array<i32>} : memref<2x4x80x128xf32, #tpu.memory_space<vmem>>, vector<16xf32>,
        %get3A_374 = arith.constant 1 : i32
        %get3A_375 = arith.index_cast %rem3A_203 : i32 to index
        %get3A_376 = arith.index_cast %get3A_374 : i32 to index
        %get3A_377 = arith.index_cast %scan3A_313 : i32 to index
        %get3A_378 = arith.constant 32 : index
        %get3A_379 = tpu.vector_load %arg6[%get3A_375, %get3A_376, %get3A_377, %get3A_378] {strides = array<i32>} : memref<2x4x80x128xf32, #tpu.memory_space<vmem>>, vector<16xf32>,
        %get3A_380 = arith.constant 1 : i32
        %get3A_381 = arith.index_cast %rem3A_203 : i32 to index
        %get3A_382 = arith.index_cast %get3A_380 : i32 to index
        %get3A_383 = arith.index_cast %scan3A_313 : i32 to index
        %get3A_384 = arith.constant 48 : index
        %get3A_385 = tpu.vector_load %arg6[%get3A_381, %get3A_382, %get3A_383, %get3A_384] {strides = array<i32>} : memref<2x4x80x128xf32, #tpu.memory_space<vmem>>, vector<16xf32>,
        %get3A_386 = arith.constant 1 : i32
        %get3A_387 = arith.index_cast %rem3A_203 : i32 to index
        %get3A_388 = arith.index_cast %get3A_386 : i32 to index
        %get3A_389 = arith.index_cast %scan3A_313 : i32 to index
        %get3A_390 = arith.constant 64 : index
        %get3A_391 = tpu.vector_load %arg6[%get3A_387, %get3A_388, %get3A_389, %get3A_390] {strides = array<i32>} : memref<2x4x80x128xf32, #tpu.memory_space<vmem>>, vector<16xf32>,
        %get3A_392 = arith.constant 1 : i32
        %get3A_393 = arith.index_cast %rem3A_203 : i32 to index
        %get3A_394 = arith.index_cast %get3A_392 : i32 to index
        %get3A_395 = arith.index_cast %scan3A_313 : i32 to index
        %get3A_396 = arith.constant 80 : index
        %get3A_397 = tpu.vector_load %arg6[%get3A_393, %get3A_394, %get3A_395, %get3A_396] {strides = array<i32>} : memref<2x4x80x128xf32, #tpu.memory_space<vmem>>, vector<16xf32>,
        %get3A_398 = arith.constant 1 : i32
        %get3A_399 = arith.index_cast %rem3A_203 : i32 to index
        %get3A_400 = arith.index_cast %get3A_398 : i32 to index
        %get3A_401 = arith.index_cast %scan3A_313 : i32 to index
        %get3A_402 = arith.constant 96 : index
        %get3A_403 = tpu.vector_load %arg6[%get3A_399, %get3A_400, %get3A_401, %get3A_402] {strides = array<i32>} : memref<2x4x80x128xf32, #tpu.memory_space<vmem>>, vector<16xf32>,
        %get3A_404 = arith.constant 1 : i32
        %get3A_405 = arith.index_cast %rem3A_203 : i32 to index
        %get3A_406 = arith.index_cast %get3A_404 : i32 to index
        %get3A_407 = arith.index_cast %scan3A_313 : i32 to index
        %get3A_408 = arith.constant 112 : index
        %get3A_409 = tpu.vector_load %arg6[%get3A_405, %get3A_406, %get3A_407, %get3A_408] {strides = array<i32>} : memref<2x4x80x128xf32, #tpu.memory_space<vmem>>, vector<16xf32>,
        %get3A_410 = arith.constant 2 : i32
        %get3A_411 = arith.index_cast %rem3A_203 : i32 to index
        %get3A_412 = arith.index_cast %get3A_410 : i32 to index
        %get3A_413 = arith.index_cast %scan3A_313 : i32 to index
        %get3A_414 = arith.constant 0 : index
        %get3A_415 = tpu.vector_load %arg6[%get3A_411, %get3A_412, %get3A_413, %get3A_414] {strides = array<i32>} : memref<2x4x80x128xf32, #tpu.memory_space<vmem>>, vector<16xf32>,
        %get3A_416 = arith.constant 2 : i32
        %get3A_417 = arith.index_cast %rem3A_203 : i32 to index
        %get3A_418 = arith.index_cast %get3A_416 : i32 to index
        %get3A_419 = arith.index_cast %scan3A_313 : i32 to index
        %get3A_420 = arith.constant 16 : index
        %get3A_421 = tpu.vector_load %arg6[%get3A_417, %get3A_418, %get3A_419, %get3A_420] {strides = array<i32>} : memref<2x4x80x128xf32, #tpu.memory_space<vmem>>, vector<16xf32>,
        %get3A_422 = arith.constant 2 : i32
        %get3A_423 = arith.index_cast %rem3A_203 : i32 to index
        %get3A_424 = arith.index_cast %get3A_422 : i32 to index
        %get3A_425 = arith.index_cast %scan3A_313 : i32 to index
        %get3A_426 = arith.constant 32 : index
        %get3A_427 = tpu.vector_load %arg6[%get3A_423, %get3A_424, %get3A_425, %get3A_426] {strides = array<i32>} : memref<2x4x80x128xf32, #tpu.memory_space<vmem>>, vector<16xf32>,
        %get3A_428 = arith.constant 2 : i32
        %get3A_429 = arith.index_cast %rem3A_203 : i32 to index
        %get3A_430 = arith.index_cast %get3A_428 : i32 to index
        %get3A_431 = arith.index_cast %scan3A_313 : i32 to index
        %get3A_432 = arith.constant 48 : index
        %get3A_433 = tpu.vector_load %arg6[%get3A_429, %get3A_430, %get3A_431, %get3A_432] {strides = array<i32>} : memref<2x4x80x128xf32, #tpu.memory_space<vmem>>, vector<16xf32>,
        %get3A_434 = arith.constant 2 : i32
        %get3A_435 = arith.index_cast %rem3A_203 : i32 to index
        %get3A_436 = arith.index_cast %get3A_434 : i32 to index
        %get3A_437 = arith.index_cast %scan3A_313 : i32 to index
        %get3A_438 = arith.constant 64 : index
        %get3A_439 = tpu.vector_load %arg6[%get3A_435, %get3A_436, %get3A_437, %get3A_438] {strides = array<i32>} : memref<2x4x80x128xf32, #tpu.memory_space<vmem>>, vector<16xf32>,
        %get3A_440 = arith.constant 2 : i32
        %get3A_441 = arith.index_cast %rem3A_203 : i32 to index
        %get3A_442 = arith.index_cast %get3A_440 : i32 to index
        %get3A_443 = arith.index_cast %scan3A_313 : i32 to index
        %get3A_444 = arith.constant 80 : index
        %get3A_445 = tpu.vector_load %arg6[%get3A_441, %get3A_442, %get3A_443, %get3A_444] {strides = array<i32>} : memref<2x4x80x128xf32, #tpu.memory_space<vmem>>, vector<16xf32>,
        %get3A_446 = arith.constant 2 : i32
        %get3A_447 = arith.index_cast %rem3A_203 : i32 to index
        %get3A_448 = arith.index_cast %get3A_446 : i32 to index
        %get3A_449 = arith.index_cast %scan3A_313 : i32 to index
        %get3A_450 = arith.constant 96 : index
        %get3A_451 = tpu.vector_load %arg6[%get3A_447, %get3A_448, %get3A_449, %get3A_450] {strides = array<i32>} : memref<2x4x80x128xf32, #tpu.memory_space<vmem>>, vector<16xf32>,
        %get3A_452 = arith.constant 2 : i32
        %get3A_453 = arith.index_cast %rem3A_203 : i32 to index
        %get3A_454 = arith.index_cast %get3A_452 : i32 to index
        %get3A_455 = arith.index_cast %scan3A_313 : i32 to index
        %get3A_456 = arith.constant 112 : index
        %get3A_457 = tpu.vector_load %arg6[%get3A_453, %get3A_454, %get3A_455, %get3A_456] {strides = array<i32>} : memref<2x4x80x128xf32, #tpu.memory_space<vmem>>, vector<16xf32>,
        %get3A_458 = arith.constant 3 : i32
        %get3A_459 = arith.index_cast %rem3A_203 : i32 to index
        %get3A_460 = arith.index_cast %get3A_458 : i32 to index
        %get3A_461 = arith.index_cast %scan3A_313 : i32 to index
        %get3A_462 = arith.constant 0 : index
        %get3A_463 = tpu.vector_load %arg6[%get3A_459, %get3A_460, %get3A_461, %get3A_462] {strides = array<i32>} : memref<2x4x80x128xf32, #tpu.memory_space<vmem>>, vector<16xf32>,
        %get3A_464 = arith.constant 3 : i32
        %get3A_465 = arith.index_cast %rem3A_203 : i32 to index
        %get3A_466 = arith.index_cast %get3A_464 : i32 to index
        %get3A_467 = arith.index_cast %scan3A_313 : i32 to index
        %get3A_468 = arith.constant 16 : index
        %get3A_469 = tpu.vector_load %arg6[%get3A_465, %get3A_466, %get3A_467, %get3A_468] {strides = array<i32>} : memref<2x4x80x128xf32, #tpu.memory_space<vmem>>, vector<16xf32>,
        %get3A_470 = arith.constant 3 : i32
        %get3A_471 = arith.index_cast %rem3A_203 : i32 to index
        %get3A_472 = arith.index_cast %get3A_470 : i32 to index
        %get3A_473 = arith.index_cast %scan3A_313 : i32 to index
        %get3A_474 = arith.constant 32 : index
        %get3A_475 = tpu.vector_load %arg6[%get3A_471, %get3A_472, %get3A_473, %get3A_474] {strides = array<i32>} : memref<2x4x80x128xf32, #tpu.memory_space<vmem>>, vector<16xf32>,
        %get3A_476 = arith.constant 3 : i32
        %get3A_477 = arith.index_cast %rem3A_203 : i32 to index
        %get3A_478 = arith.index_cast %get3A_476 : i32 to index
        %get3A_479 = arith.index_cast %scan3A_313 : i32 to index
        %get3A_480 = arith.constant 48 : index
        %get3A_481 = tpu.vector_load %arg6[%get3A_477, %get3A_478, %get3A_479, %get3A_480] {strides = array<i32>} : memref<2x4x80x128xf32, #tpu.memory_space<vmem>>, vector<16xf32>,
        %get3A_482 = arith.constant 3 : i32
        %get3A_483 = arith.index_cast %rem3A_203 : i32 to index
        %get3A_484 = arith.index_cast %get3A_482 : i32 to index
        %get3A_485 = arith.index_cast %scan3A_313 : i32 to index
        %get3A_486 = arith.constant 64 : index
        %get3A_487 = tpu.vector_load %arg6[%get3A_483, %get3A_484, %get3A_485, %get3A_486] {strides = array<i32>} : memref<2x4x80x128xf32, #tpu.memory_space<vmem>>, vector<16xf32>,
        %get3A_488 = arith.constant 3 : i32
        %get3A_489 = arith.index_cast %rem3A_203 : i32 to index
        %get3A_490 = arith.index_cast %get3A_488 : i32 to index
        %get3A_491 = arith.index_cast %scan3A_313 : i32 to index
        %get3A_492 = arith.constant 80 : index
        %get3A_493 = tpu.vector_load %arg6[%get3A_489, %get3A_490, %get3A_491, %get3A_492] {strides = array<i32>} : memref<2x4x80x128xf32, #tpu.memory_space<vmem>>, vector<16xf32>,
        %get3A_494 = arith.constant 3 : i32
        %get3A_495 = arith.index_cast %rem3A_203 : i32 to index
        %get3A_496 = arith.index_cast %get3A_494 : i32 to index
        %get3A_497 = arith.index_cast %scan3A_313 : i32 to index
        %get3A_498 = arith.constant 96 : index
        %get3A_499 = tpu.vector_load %arg6[%get3A_495, %get3A_496, %get3A_497, %get3A_498] {strides = array<i32>} : memref<2x4x80x128xf32, #tpu.memory_space<vmem>>, vector<16xf32>,
        %get3A_500 = arith.constant 3 : i32
        %get3A_501 = arith.index_cast %rem3A_203 : i32 to index
        %get3A_502 = arith.index_cast %get3A_500 : i32 to index
        %get3A_503 = arith.index_cast %scan3A_313 : i32 to index
        %get3A_504 = arith.constant 112 : index
        %get3A_505 = tpu.vector_load %arg6[%get3A_501, %get3A_502, %get3A_503, %get3A_504] {strides = array<i32>} : memref<2x4x80x128xf32, #tpu.memory_space<vmem>>, vector<16xf32>,
        %mul3A_506 = arith.mulf %get3A_319, %get3A_319 : vector<16xf32>
        %mul3A_507 = arith.mulf %get3A_325, %get3A_325 : vector<16xf32>
        %mul3A_508 = arith.mulf %get3A_331, %get3A_331 : vector<16xf32>
        %mul3A_509 = arith.mulf %get3A_337, %get3A_337 : vector<16xf32>
        %mul3A_510 = arith.mulf %get3A_343, %get3A_343 : vector<16xf32>
        %mul3A_511 = arith.mulf %get3A_349, %get3A_349 : vector<16xf32>
        %mul3A_512 = arith.mulf %get3A_355, %get3A_355 : vector<16xf32>
        %mul3A_513 = arith.mulf %get3A_361, %get3A_361 : vector<16xf32>
        %add3A_514 = arith.addf %mul3A_506, %mul3A_507 : vector<16xf32>
        %add3A_515 = arith.addf %mul3A_508, %mul3A_509 : vector<16xf32>
        %add3A_516 = arith.addf %mul3A_510, %mul3A_511 : vector<16xf32>
        %add3A_517 = arith.addf %mul3A_512, %mul3A_513 : vector<16xf32>
        %add3A_518 = arith.addf %add3A_514, %add3A_515 : vector<16xf32>
        %add3A_519 = arith.addf %add3A_516, %add3A_517 : vector<16xf32>
        %add3A_520 = arith.addf %add3A_518, %add3A_519 : vector<16xf32>
        %reduce_sum3A = arith.constant true
        %reduce_sum3A_521 = vector.broadcast %reduce_sum3A : i1 to vector<16xi1>
        %reduce_sum3A_522 = tpu.scan <sum>, %add3A_520 masked %reduce_sum3A_521 : vector<16xf32>, vector<16xi1> -> vector<16xf32>
        %reduce_sum3A_523 = vector.extract %reduce_sum3A_522[15] : f32 from vector<16xf32>
        %broadcast_in_dim3A_524 = vector.broadcast %reduce_sum3A_523 : f32 to vector<16xf32>
        %mul3A_525 = arith.mulf %get3A_367, %get3A_367 : vector<16xf32>
        %mul3A_526 = arith.mulf %get3A_373, %get3A_373 : vector<16xf32>
        %mul3A_527 = arith.mulf %get3A_379, %get3A_379 : vector<16xf32>
        %mul3A_528 = arith.mulf %get3A_385, %get3A_385 : vector<16xf32>
        %mul3A_529 = arith.mulf %get3A_391, %get3A_391 : vector<16xf32>
        %mul3A_530 = arith.mulf %get3A_397, %get3A_397 : vector<16xf32>
        %mul3A_531 = arith.mulf %get3A_403, %get3A_403 : vector<16xf32>
        %mul3A_532 = arith.mulf %get3A_409, %get3A_409 : vector<16xf32>
        %add3A_533 = arith.addf %mul3A_525, %mul3A_526 : vector<16xf32>
        %add3A_534 = arith.addf %mul3A_527, %mul3A_528 : vector<16xf32>
        %add3A_535 = arith.addf %mul3A_529, %mul3A_530 : vector<16xf32>
        %add3A_536 = arith.addf %mul3A_531, %mul3A_532 : vector<16xf32>
        %add3A_537 = arith.addf %add3A_533, %add3A_534 : vector<16xf32>
        %add3A_538 = arith.addf %add3A_535, %add3A_536 : vector<16xf32>
        %add3A_539 = arith.addf %add3A_537, %add3A_538 : vector<16xf32>
        %reduce_sum3A_540 = arith.constant true
        %reduce_sum3A_541 = vector.broadcast %reduce_sum3A_540 : i1 to vector<16xi1>
        %reduce_sum3A_542 = tpu.scan <sum>, %add3A_539 masked %reduce_sum3A_541 : vector<16xf32>, vector<16xi1> -> vector<16xf32>
        %reduce_sum3A_543 = vector.extract %reduce_sum3A_542[15] : f32 from vector<16xf32>
        %broadcast_in_dim3A_544 = vector.broadcast %reduce_sum3A_543 : f32 to vector<16xf32>
        %mul3A_545 = arith.mulf %get3A_415, %get3A_415 : vector<16xf32>
        %mul3A_546 = arith.mulf %get3A_421, %get3A_421 : vector<16xf32>
        %mul3A_547 = arith.mulf %get3A_427, %get3A_427 : vector<16xf32>
        %mul3A_548 = arith.mulf %get3A_433, %get3A_433 : vector<16xf32>
        %mul3A_549 = arith.mulf %get3A_439, %get3A_439 : vector<16xf32>
        %mul3A_550 = arith.mulf %get3A_445, %get3A_445 : vector<16xf32>
        %mul3A_551 = arith.mulf %get3A_451, %get3A_451 : vector<16xf32>
        %mul3A_552 = arith.mulf %get3A_457, %get3A_457 : vector<16xf32>
        %add3A_553 = arith.addf %mul3A_545, %mul3A_546 : vector<16xf32>
        %add3A_554 = arith.addf %mul3A_547, %mul3A_548 : vector<16xf32>
        %add3A_555 = arith.addf %mul3A_549, %mul3A_550 : vector<16xf32>
        %add3A_556 = arith.addf %mul3A_551, %mul3A_552 : vector<16xf32>
        %add3A_557 = arith.addf %add3A_553, %add3A_554 : vector<16xf32>
        %add3A_558 = arith.addf %add3A_555, %add3A_556 : vector<16xf32>
        %add3A_559 = arith.addf %add3A_557, %add3A_558 : vector<16xf32>
        %reduce_sum3A_560 = arith.constant true
        %reduce_sum3A_561 = vector.broadcast %reduce_sum3A_560 : i1 to vector<16xi1>
        %reduce_sum3A_562 = tpu.scan <sum>, %add3A_559 masked %reduce_sum3A_561 : vector<16xf32>, vector<16xi1> -> vector<16xf32>
        %reduce_sum3A_563 = vector.extract %reduce_sum3A_562[15] : f32 from vector<16xf32>
        %broadcast_in_dim3A_564 = vector.broadcast %reduce_sum3A_563 : f32 to vector<16xf32>
        %mul3A_565 = arith.mulf %get3A_463, %get3A_463 : vector<16xf32>
        %mul3A_566 = arith.mulf %get3A_469, %get3A_469 : vector<16xf32>
        %mul3A_567 = arith.mulf %get3A_475, %get3A_475 : vector<16xf32>
        %mul3A_568 = arith.mulf %get3A_481, %get3A_481 : vector<16xf32>
        %mul3A_569 = arith.mulf %get3A_487, %get3A_487 : vector<16xf32>
        %mul3A_570 = arith.mulf %get3A_493, %get3A_493 : vector<16xf32>
        %mul3A_571 = arith.mulf %get3A_499, %get3A_499 : vector<16xf32>
        %mul3A_572 = arith.mulf %get3A_505, %get3A_505 : vector<16xf32>
        %add3A_573 = arith.addf %mul3A_565, %mul3A_566 : vector<16xf32>
        %add3A_574 = arith.addf %mul3A_567, %mul3A_568 : vector<16xf32>
        %add3A_575 = arith.addf %mul3A_569, %mul3A_570 : vector<16xf32>
        %add3A_576 = arith.addf %mul3A_571, %mul3A_572 : vector<16xf32>
        %add3A_577 = arith.addf %add3A_573, %add3A_574 : vector<16xf32>
        %add3A_578 = arith.addf %add3A_575, %add3A_576 : vector<16xf32>
        %add3A_579 = arith.addf %add3A_577, %add3A_578 : vector<16xf32>
        %reduce_sum3A_580 = arith.constant true
        %reduce_sum3A_581 = vector.broadcast %reduce_sum3A_580 : i1 to vector<16xi1>
        %reduce_sum3A_582 = tpu.scan <sum>, %add3A_579 masked %reduce_sum3A_581 : vector<16xf32>, vector<16xi1> -> vector<16xf32>
        %reduce_sum3A_583 = vector.extract %reduce_sum3A_582[15] : f32 from vector<16xf32>
        %broadcast_in_dim3A_584 = vector.broadcast %reduce_sum3A_583 : f32 to vector<16xf32>
        %mul3A_585 = arith.mulf %get3A_319, %get3A_17 : vector<16xf32>
        %mul3A_586 = arith.mulf %get3A_325, %get3A_19 : vector<16xf32>
        %mul3A_587 = arith.mulf %get3A_331, %get3A_21 : vector<16xf32>
        %mul3A_588 = arith.mulf %get3A_337, %get3A_23 : vector<16xf32>
        %mul3A_589 = arith.mulf %get3A_343, %get3A_25 : vector<16xf32>
        %mul3A_590 = arith.mulf %get3A_349, %get3A_27 : vector<16xf32>
        %mul3A_591 = arith.mulf %get3A_355, %get3A_29 : vector<16xf32>
        %mul3A_592 = arith.mulf %get3A_361, %get3A_31 : vector<16xf32>
        %add3A_593 = arith.addf %mul3A_585, %mul3A_586 : vector<16xf32>
        %add3A_594 = arith.addf %mul3A_587, %mul3A_588 : vector<16xf32>
        %add3A_595 = arith.addf %mul3A_589, %mul3A_590 : vector<16xf32>
        %add3A_596 = arith.addf %mul3A_591, %mul3A_592 : vector<16xf32>
        %add3A_597 = arith.addf %add3A_593, %add3A_594 : vector<16xf32>
        %add3A_598 = arith.addf %add3A_595, %add3A_596 : vector<16xf32>
        %add3A_599 = arith.addf %add3A_597, %add3A_598 : vector<16xf32>
        %reduce_sum3A_600 = arith.constant true
        %reduce_sum3A_601 = vector.broadcast %reduce_sum3A_600 : i1 to vector<16xi1>
        %reduce_sum3A_602 = tpu.scan <sum>, %add3A_599 masked %reduce_sum3A_601 : vector<16xf32>, vector<16xi1> -> vector<16xf32>
        %reduce_sum3A_603 = vector.extract %reduce_sum3A_602[15] : f32 from vector<16xf32>
        %broadcast_in_dim3A_604 = vector.broadcast %reduce_sum3A_603 : f32 to vector<16xf32>
        %mul3A_605 = arith.mulf %get3A_367, %get3A_1 : vector<16xf32>
        %mul3A_606 = arith.mulf %get3A_373, %get3A_3 : vector<16xf32>
        %mul3A_607 = arith.mulf %get3A_379, %get3A_5 : vector<16xf32>
        %mul3A_608 = arith.mulf %get3A_385, %get3A_7 : vector<16xf32>
        %mul3A_609 = arith.mulf %get3A_391, %get3A_9 : vector<16xf32>
        %mul3A_610 = arith.mulf %get3A_397, %get3A_11 : vector<16xf32>
        %mul3A_611 = arith.mulf %get3A_403, %get3A_13 : vector<16xf32>
        %mul3A_612 = arith.mulf %get3A_409, %get3A_15 : vector<16xf32>
        %add3A_613 = arith.addf %mul3A_605, %mul3A_606 : vector<16xf32>
        %add3A_614 = arith.addf %mul3A_607, %mul3A_608 : vector<16xf32>
        %add3A_615 = arith.addf %mul3A_609, %mul3A_610 : vector<16xf32>
        %add3A_616 = arith.addf %mul3A_611, %mul3A_612 : vector<16xf32>
        %add3A_617 = arith.addf %add3A_613, %add3A_614 : vector<16xf32>
        %add3A_618 = arith.addf %add3A_615, %add3A_616 : vector<16xf32>
        %add3A_619 = arith.addf %add3A_617, %add3A_618 : vector<16xf32>
        %reduce_sum3A_620 = arith.constant true
        %reduce_sum3A_621 = vector.broadcast %reduce_sum3A_620 : i1 to vector<16xi1>
        %reduce_sum3A_622 = tpu.scan <sum>, %add3A_619 masked %reduce_sum3A_621 : vector<16xf32>, vector<16xi1> -> vector<16xf32>
        %reduce_sum3A_623 = vector.extract %reduce_sum3A_622[15] : f32 from vector<16xf32>
        %broadcast_in_dim3A_624 = vector.broadcast %reduce_sum3A_623 : f32 to vector<16xf32>
        %mul3A_625 = arith.mulf %get3A_415, %get3A_1 : vector<16xf32>
        %mul3A_626 = arith.mulf %get3A_421, %get3A_3 : vector<16xf32>
        %mul3A_627 = arith.mulf %get3A_427, %get3A_5 : vector<16xf32>
        %mul3A_628 = arith.mulf %get3A_433, %get3A_7 : vector<16xf32>
        %mul3A_629 = arith.mulf %get3A_439, %get3A_9 : vector<16xf32>
        %mul3A_630 = arith.mulf %get3A_445, %get3A_11 : vector<16xf32>
        %mul3A_631 = arith.mulf %get3A_451, %get3A_13 : vector<16xf32>
        %mul3A_632 = arith.mulf %get3A_457, %get3A_15 : vector<16xf32>
        %add3A_633 = arith.addf %mul3A_625, %mul3A_626 : vector<16xf32>
        %add3A_634 = arith.addf %mul3A_627, %mul3A_628 : vector<16xf32>
        %add3A_635 = arith.addf %mul3A_629, %mul3A_630 : vector<16xf32>
        %add3A_636 = arith.addf %mul3A_631, %mul3A_632 : vector<16xf32>
        %add3A_637 = arith.addf %add3A_633, %add3A_634 : vector<16xf32>
        %add3A_638 = arith.addf %add3A_635, %add3A_636 : vector<16xf32>
        %add3A_639 = arith.addf %add3A_637, %add3A_638 : vector<16xf32>
        %reduce_sum3A_640 = arith.constant true
        %reduce_sum3A_641 = vector.broadcast %reduce_sum3A_640 : i1 to vector<16xi1>
        %reduce_sum3A_642 = tpu.scan <sum>, %add3A_639 masked %reduce_sum3A_641 : vector<16xf32>, vector<16xi1> -> vector<16xf32>
        %reduce_sum3A_643 = vector.extract %reduce_sum3A_642[15] : f32 from vector<16xf32>
        %broadcast_in_dim3A_644 = vector.broadcast %reduce_sum3A_643 : f32 to vector<16xf32>
        %mul3A_645 = arith.mulf %get3A_463, %get3A_1 : vector<16xf32>
        %mul3A_646 = arith.mulf %get3A_469, %get3A_3 : vector<16xf32>
        %mul3A_647 = arith.mulf %get3A_475, %get3A_5 : vector<16xf32>
        %mul3A_648 = arith.mulf %get3A_481, %get3A_7 : vector<16xf32>
        %mul3A_649 = arith.mulf %get3A_487, %get3A_9 : vector<16xf32>
        %mul3A_650 = arith.mulf %get3A_493, %get3A_11 : vector<16xf32>
        %mul3A_651 = arith.mulf %get3A_499, %get3A_13 : vector<16xf32>
        %mul3A_652 = arith.mulf %get3A_505, %get3A_15 : vector<16xf32>
        %add3A_653 = arith.addf %mul3A_645, %mul3A_646 : vector<16xf32>
        %add3A_654 = arith.addf %mul3A_647, %mul3A_648 : vector<16xf32>
        %add3A_655 = arith.addf %mul3A_649, %mul3A_650 : vector<16xf32>
        %add3A_656 = arith.addf %mul3A_651, %mul3A_652 : vector<16xf32>
        %add3A_657 = arith.addf %add3A_653, %add3A_654 : vector<16xf32>
        %add3A_658 = arith.addf %add3A_655, %add3A_656 : vector<16xf32>
        %add3A_659 = arith.addf %add3A_657, %add3A_658 : vector<16xf32>
        %reduce_sum3A_660 = arith.constant true
        %reduce_sum3A_661 = vector.broadcast %reduce_sum3A_660 : i1 to vector<16xi1>
        %reduce_sum3A_662 = tpu.scan <sum>, %add3A_659 masked %reduce_sum3A_661 : vector<16xf32>, vector<16xi1> -> vector<16xf32>
        %reduce_sum3A_663 = vector.extract %reduce_sum3A_662[15] : f32 from vector<16xf32>
        %broadcast_in_dim3A_664 = vector.broadcast %reduce_sum3A_663 : f32 to vector<16xf32>
        %select_n3A_665 = arith.select %lt3A_38, %broadcast_in_dim3A_524, %broadcast_in_dim3A_544 : vector<16xi1>, vector<16xf32>
        %select_n3A_666 = arith.select %lt3A_41, %broadcast_in_dim3A_564, %broadcast_in_dim3A_584 : vector<16xi1>, vector<16xf32>
        %select_n3A_667 = arith.select %lt3A_35, %select_n3A_665, %select_n3A_666 : vector<16xi1>, vector<16xf32>
        %max3A = arith.constant 1.000000e-24 : f32
        %max3A_668 = vector.broadcast %max3A : f32 to vector<16xf32>
        %max3A_669 = arith.maximumf %select_n3A_667, %max3A_668 : vector<16xf32>
        %bitcast_convert_type3A = tpu.bitcast %max3A_669 : vector<16xf32> -> vector<16xi32>
        %shift_right_logical3A = arith.constant 1 : i32
        %shift_right_logical3A_670 = vector.broadcast %shift_right_logical3A : i32 to vector<16xi32>
        %shift_right_logical3A_671 = arith.shrui %bitcast_convert_type3A, %shift_right_logical3A_670 : vector<16xi32>
        %sub3A_672 = arith.constant 1597463007 : i32
        %sub3A_673 = vector.broadcast %sub3A_672 : i32 to vector<16xi32>
        %sub3A_674 = arith.subi %sub3A_673, %shift_right_logical3A_671 : vector<16xi32>
        %bitcast_convert_type3A_675 = tpu.bitcast %sub3A_674 : vector<16xi32> -> vector<16xf32>
        %mul3A_676 = arith.constant 5.000000e-01 : f32
        %mul3A_677 = vector.broadcast %mul3A_676 : f32 to vector<16xf32>
        %mul3A_678 = arith.mulf %mul3A_677, %max3A_669 : vector<16xf32>
        %mul3A_679 = arith.mulf %mul3A_678, %bitcast_convert_type3A_675 : vector<16xf32>
        %mul3A_680 = arith.mulf %mul3A_679, %bitcast_convert_type3A_675 : vector<16xf32>
        %sub3A_681 = arith.constant 1.500000e+00 : f32
        %sub3A_682 = vector.broadcast %sub3A_681 : f32 to vector<16xf32>
        %sub3A_683 = arith.subf %sub3A_682, %mul3A_680 : vector<16xf32>
        %mul3A_684 = arith.mulf %bitcast_convert_type3A_675, %sub3A_683 : vector<16xf32>
        %mul3A_685 = arith.constant 5.000000e-01 : f32
        %mul3A_686 = vector.broadcast %mul3A_685 : f32 to vector<16xf32>
        %mul3A_687 = arith.mulf %mul3A_686, %max3A_669 : vector<16xf32>
        %mul3A_688 = arith.mulf %mul3A_687, %mul3A_684 : vector<16xf32>
        %mul3A_689 = arith.mulf %mul3A_688, %mul3A_684 : vector<16xf32>
        %sub3A_690 = arith.constant 1.500000e+00 : f32
        %sub3A_691 = vector.broadcast %sub3A_690 : f32 to vector<16xf32>
        %sub3A_692 = arith.subf %sub3A_691, %mul3A_689 : vector<16xf32>
        %mul3A_693 = arith.mulf %mul3A_684, %sub3A_692 : vector<16xf32>
        %lt3A_694 = arith.constant 0 : i32
        %lt3A_695 = vector.broadcast %lt3A_694 : i32 to vector<16xi32>
        %lt3A_696 = arith.cmpi slt, %add3A_47, %lt3A_695 : vector<16xi32>
        %add3A_697 = arith.constant 16 : i32
        %add3A_698 = vector.broadcast %add3A_697 : i32 to vector<16xi32>
        %add3A_699 = arith.addi %add3A_47, %add3A_698 : vector<16xi32>
        %select_n3A_700 = arith.select %lt3A_696, %add3A_699, %add3A_47 : vector<16xi1>, vector<16xi32>
        %reshape3A = vector.shape_cast %select_n3A_700 : vector<16xi32> to vector<16x1xi32>
        %gather3A = vector.shape_cast %reshape3A : vector<16x1xi32> to vector<16xi32>
        %gather3A_701 = tpu.dynamic_gather %mul3A_693[%gather3A] in [0] : vector<16xf32>, vector<16xi32> -> vector<16xf32>
        %lt3A_702 = arith.constant 0 : i32
        %lt3A_703 = vector.broadcast %lt3A_702 : i32 to vector<16xi32>
        %lt3A_704 = arith.cmpi slt, %add3A_53, %lt3A_703 : vector<16xi32>
        %add3A_705 = arith.constant 16 : i32
        %add3A_706 = vector.broadcast %add3A_705 : i32 to vector<16xi32>
        %add3A_707 = arith.addi %add3A_53, %add3A_706 : vector<16xi32>
        %select_n3A_708 = arith.select %lt3A_704, %add3A_707, %add3A_53 : vector<16xi1>, vector<16xi32>
        %reshape3A_709 = vector.shape_cast %select_n3A_708 : vector<16xi32> to vector<16x1xi32>
        %gather3A_710 = vector.shape_cast %reshape3A_709 : vector<16x1xi32> to vector<16xi32>
        %gather3A_711 = tpu.dynamic_gather %mul3A_693[%gather3A_710] in [0] : vector<16xf32>, vector<16xi32> -> vector<16xf32>
        %lt3A_712 = arith.constant 0 : i32
        %lt3A_713 = vector.broadcast %lt3A_712 : i32 to vector<16xi32>
        %lt3A_714 = arith.cmpi slt, %add3A_59, %lt3A_713 : vector<16xi32>
        %add3A_715 = arith.constant 16 : i32
        %add3A_716 = vector.broadcast %add3A_715 : i32 to vector<16xi32>
        %add3A_717 = arith.addi %add3A_59, %add3A_716 : vector<16xi32>
        %select_n3A_718 = arith.select %lt3A_714, %add3A_717, %add3A_59 : vector<16xi1>, vector<16xi32>
        %reshape3A_719 = vector.shape_cast %select_n3A_718 : vector<16xi32> to vector<16x1xi32>
        %gather3A_720 = vector.shape_cast %reshape3A_719 : vector<16x1xi32> to vector<16xi32>
        %gather3A_721 = tpu.dynamic_gather %mul3A_693[%gather3A_720] in [0] : vector<16xf32>, vector<16xi32> -> vector<16xf32>
        %lt3A_722 = arith.constant 0 : i32
        %lt3A_723 = vector.broadcast %lt3A_722 : i32 to vector<16xi32>
        %lt3A_724 = arith.cmpi slt, %add3A_65, %lt3A_723 : vector<16xi32>
        %add3A_725 = arith.constant 16 : i32
        %add3A_726 = vector.broadcast %add3A_725 : i32 to vector<16xi32>
        %add3A_727 = arith.addi %add3A_65, %add3A_726 : vector<16xi32>
        %select_n3A_728 = arith.select %lt3A_724, %add3A_727, %add3A_65 : vector<16xi1>, vector<16xi32>
        %reshape3A_729 = vector.shape_cast %select_n3A_728 : vector<16xi32> to vector<16x1xi32>
        %gather3A_730 = vector.shape_cast %reshape3A_729 : vector<16x1xi32> to vector<16xi32>
        %gather3A_731 = tpu.dynamic_gather %mul3A_693[%gather3A_730] in [0] : vector<16xf32>, vector<16xi32> -> vector<16xf32>
        %mul3A_732 = arith.mulf %broadcast_in_dim3A_604, %gather3A_701 : vector<16xf32>
        %mul3A_733 = arith.mulf %broadcast_in_dim3A_624, %gather3A_711 : vector<16xf32>
        %add3A_734 = arith.addf %mul3A_733, %mul3A_732 : vector<16xf32>
        %add3A_735 = arith.addf %add3A_734, %broadcast_in_dim3A : vector<16xf32>
        %mul3A_736 = arith.mulf %broadcast_in_dim3A_644, %gather3A_721 : vector<16xf32>
        %add3A_737 = arith.addf %mul3A_736, %mul3A_732 : vector<16xf32>
        %add3A_738 = arith.addf %add3A_737, %broadcast_in_dim3A : vector<16xf32>
        %mul3A_739 = arith.mulf %broadcast_in_dim3A_664, %gather3A_731 : vector<16xf32>
        %add3A_740 = arith.addf %mul3A_739, %mul3A_732 : vector<16xf32>
        %add3A_741 = arith.addf %add3A_740, %broadcast_in_dim3A : vector<16xf32>
        %ge3A_742 = arith.constant 0.000000e+00 : f32
        %ge3A_743 = vector.broadcast %ge3A_742 : f32 to vector<16xf32>
        %ge3A_744 = arith.cmpf oge, %add3A_735, %ge3A_743 : vector<16xf32>
        %mul3A_745 = arith.constant 0.00999999977 : f32
        %mul3A_746 = vector.broadcast %mul3A_745 : f32 to vector<16xf32>
        %mul3A_747 = arith.mulf %mul3A_746, %add3A_735 : vector<16xf32>
        %select_n3A_748 = arith.select %ge3A_744, %add3A_735, %mul3A_747 : vector<16xi1>, vector<16xf32>
        %ge3A_749 = arith.constant 0.000000e+00 : f32
        %ge3A_750 = vector.broadcast %ge3A_749 : f32 to vector<16xf32>
        %ge3A_751 = arith.cmpf oge, %add3A_738, %ge3A_750 : vector<16xf32>
        %mul3A_752 = arith.constant 0.00999999977 : f32
        %mul3A_753 = vector.broadcast %mul3A_752 : f32 to vector<16xf32>
        %mul3A_754 = arith.mulf %mul3A_753, %add3A_738 : vector<16xf32>
        %select_n3A_755 = arith.select %ge3A_751, %add3A_738, %mul3A_754 : vector<16xi1>, vector<16xf32>
        %ge3A_756 = arith.constant 0.000000e+00 : f32
        %ge3A_757 = vector.broadcast %ge3A_756 : f32 to vector<16xf32>
        %ge3A_758 = arith.cmpf oge, %add3A_741, %ge3A_757 : vector<16xf32>
        %mul3A_759 = arith.constant 0.00999999977 : f32
        %mul3A_760 = vector.broadcast %mul3A_759 : f32 to vector<16xf32>
        %mul3A_761 = arith.mulf %mul3A_760, %add3A_741 : vector<16xf32>
        %select_n3A_762 = arith.select %ge3A_758, %add3A_741, %mul3A_761 : vector<16xi1>, vector<16xf32>
        %max3A_763 = arith.maximumf %select_n3A_748, %select_n3A_755 : vector<16xf32>
        %max3A_764 = arith.maximumf %max3A_763, %select_n3A_762 : vector<16xf32>
        %sub3A_765 = arith.subf %select_n3A_748, %max3A_764 : vector<16xf32>
        %exp3A = math.exp %sub3A_765 : vector<16xf32>
        %sub3A_766 = arith.subf %select_n3A_755, %max3A_764 : vector<16xf32>
        %exp3A_767 = math.exp %sub3A_766 : vector<16xf32>
        %sub3A_768 = arith.subf %select_n3A_762, %max3A_764 : vector<16xf32>
        %exp3A_769 = math.exp %sub3A_768 : vector<16xf32>
        %add3A_770 = arith.addf %exp3A, %exp3A_767 : vector<16xf32>
        %add3A_771 = arith.addf %add3A_770, %exp3A_769 : vector<16xf32>
        %add3A_772 = arith.constant 1.000000e-16 : f32
        %add3A_773 = vector.broadcast %add3A_772 : f32 to vector<16xf32>
        %add3A_774 = arith.addf %add3A_771, %add3A_773 : vector<16xf32>
        %div3A_775 = arith.divf %exp3A, %add3A_774 : vector<16xf32>
        %div3A_776 = arith.divf %exp3A_767, %add3A_774 : vector<16xf32>
        %div3A_777 = arith.divf %exp3A_769, %add3A_774 : vector<16xf32>
        %mul3A_778 = arith.mulf %div3A_775, %gather3A_711 : vector<16xf32>
        %mul3A_779 = arith.mulf %div3A_776, %gather3A_721 : vector<16xf32>
        %mul3A_780 = arith.mulf %div3A_777, %gather3A_731 : vector<16xf32>
        %mul3A_781 = arith.mulf %get3A_319, %gather3A_701 : vector<16xf32>
        %mul3A_782 = arith.mulf %mul3A_778, %get3A_367 : vector<16xf32>
        %add3A_783 = arith.addf %mul3A_781, %mul3A_782 : vector<16xf32>
        %mul3A_784 = arith.mulf %mul3A_779, %get3A_415 : vector<16xf32>
        %add3A_785 = arith.addf %add3A_783, %mul3A_784 : vector<16xf32>
        %mul3A_786 = arith.mulf %mul3A_780, %get3A_463 : vector<16xf32>
        %add3A_787 = arith.addf %add3A_785, %mul3A_786 : vector<16xf32>
        %swap3A = arith.index_cast %rem3A_203 : i32 to index
        %swap3A_788 = arith.index_cast %scan3A_313 : i32 to index
        %swap3A_789 = arith.constant 0 : index
        %swap3A_790 = tpu.vector_load %arg7[%swap3A, %swap3A_788, %swap3A_789] {strides = array<i32>} : memref<2x80x128xf32, #tpu.memory_space<vmem>>, vector<16xf32>,
        tpu.vector_store %arg7[%swap3A, %swap3A_788, %swap3A_789], %add3A_787 {strides = array<i32>} : memref<2x80x128xf32, #tpu.memory_space<vmem>>, vector<16xf32>,
        %mul3A_791 = arith.mulf %get3A_325, %gather3A_701 : vector<16xf32>
        %mul3A_792 = arith.mulf %mul3A_778, %get3A_373 : vector<16xf32>
        %add3A_793 = arith.addf %mul3A_791, %mul3A_792 : vector<16xf32>
        %mul3A_794 = arith.mulf %mul3A_779, %get3A_421 : vector<16xf32>
        %add3A_795 = arith.addf %add3A_793, %mul3A_794 : vector<16xf32>
        %mul3A_796 = arith.mulf %mul3A_780, %get3A_469 : vector<16xf32>
        %add3A_797 = arith.addf %add3A_795, %mul3A_796 : vector<16xf32>
        %swap3A_798 = arith.index_cast %rem3A_203 : i32 to index
        %swap3A_799 = arith.index_cast %scan3A_313 : i32 to index
        %swap3A_800 = arith.constant 16 : index
        %swap3A_801 = tpu.vector_load %arg7[%swap3A_798, %swap3A_799, %swap3A_800] {strides = array<i32>} : memref<2x80x128xf32, #tpu.memory_space<vmem>>, vector<16xf32>,
        tpu.vector_store %arg7[%swap3A_798, %swap3A_799, %swap3A_800], %add3A_797 {strides = array<i32>} : memref<2x80x128xf32, #tpu.memory_space<vmem>>, vector<16xf32>,
        %mul3A_802 = arith.mulf %get3A_331, %gather3A_701 : vector<16xf32>
        %mul3A_803 = arith.mulf %mul3A_778, %get3A_379 : vector<16xf32>
        %add3A_804 = arith.addf %mul3A_802, %mul3A_803 : vector<16xf32>
        %mul3A_805 = arith.mulf %mul3A_779, %get3A_427 : vector<16xf32>
        %add3A_806 = arith.addf %add3A_804, %mul3A_805 : vector<16xf32>
        %mul3A_807 = arith.mulf %mul3A_780, %get3A_475 : vector<16xf32>
        %add3A_808 = arith.addf %add3A_806, %mul3A_807 : vector<16xf32>
        %swap3A_809 = arith.index_cast %rem3A_203 : i32 to index
        %swap3A_810 = arith.index_cast %scan3A_313 : i32 to index
        %swap3A_811 = arith.constant 32 : index
        %swap3A_812 = tpu.vector_load %arg7[%swap3A_809, %swap3A_810, %swap3A_811] {strides = array<i32>} : memref<2x80x128xf32, #tpu.memory_space<vmem>>, vector<16xf32>,
        tpu.vector_store %arg7[%swap3A_809, %swap3A_810, %swap3A_811], %add3A_808 {strides = array<i32>} : memref<2x80x128xf32, #tpu.memory_space<vmem>>, vector<16xf32>,
        %mul3A_813 = arith.mulf %get3A_337, %gather3A_701 : vector<16xf32>
        %mul3A_814 = arith.mulf %mul3A_778, %get3A_385 : vector<16xf32>
        %add3A_815 = arith.addf %mul3A_813, %mul3A_814 : vector<16xf32>
        %mul3A_816 = arith.mulf %mul3A_779, %get3A_433 : vector<16xf32>
        %add3A_817 = arith.addf %add3A_815, %mul3A_816 : vector<16xf32>
        %mul3A_818 = arith.mulf %mul3A_780, %get3A_481 : vector<16xf32>
        %add3A_819 = arith.addf %add3A_817, %mul3A_818 : vector<16xf32>
        %swap3A_820 = arith.index_cast %rem3A_203 : i32 to index
        %swap3A_821 = arith.index_cast %scan3A_313 : i32 to index
        %swap3A_822 = arith.constant 48 : index
        %swap3A_823 = tpu.vector_load %arg7[%swap3A_820, %swap3A_821, %swap3A_822] {strides = array<i32>} : memref<2x80x128xf32, #tpu.memory_space<vmem>>, vector<16xf32>,
        tpu.vector_store %arg7[%swap3A_820, %swap3A_821, %swap3A_822], %add3A_819 {strides = array<i32>} : memref<2x80x128xf32, #tpu.memory_space<vmem>>, vector<16xf32>,
        %mul3A_824 = arith.mulf %get3A_343, %gather3A_701 : vector<16xf32>
        %mul3A_825 = arith.mulf %mul3A_778, %get3A_391 : vector<16xf32>
        %add3A_826 = arith.addf %mul3A_824, %mul3A_825 : vector<16xf32>
        %mul3A_827 = arith.mulf %mul3A_779, %get3A_439 : vector<16xf32>
        %add3A_828 = arith.addf %add3A_826, %mul3A_827 : vector<16xf32>
        %mul3A_829 = arith.mulf %mul3A_780, %get3A_487 : vector<16xf32>
        %add3A_830 = arith.addf %add3A_828, %mul3A_829 : vector<16xf32>
        %swap3A_831 = arith.index_cast %rem3A_203 : i32 to index
        %swap3A_832 = arith.index_cast %scan3A_313 : i32 to index
        %swap3A_833 = arith.constant 64 : index
        %swap3A_834 = tpu.vector_load %arg7[%swap3A_831, %swap3A_832, %swap3A_833] {strides = array<i32>} : memref<2x80x128xf32, #tpu.memory_space<vmem>>, vector<16xf32>,
        tpu.vector_store %arg7[%swap3A_831, %swap3A_832, %swap3A_833], %add3A_830 {strides = array<i32>} : memref<2x80x128xf32, #tpu.memory_space<vmem>>, vector<16xf32>,
        %mul3A_835 = arith.mulf %get3A_349, %gather3A_701 : vector<16xf32>
        %mul3A_836 = arith.mulf %mul3A_778, %get3A_397 : vector<16xf32>
        %add3A_837 = arith.addf %mul3A_835, %mul3A_836 : vector<16xf32>
        %mul3A_838 = arith.mulf %mul3A_779, %get3A_445 : vector<16xf32>
        %add3A_839 = arith.addf %add3A_837, %mul3A_838 : vector<16xf32>
        %mul3A_840 = arith.mulf %mul3A_780, %get3A_493 : vector<16xf32>
        %add3A_841 = arith.addf %add3A_839, %mul3A_840 : vector<16xf32>
        %swap3A_842 = arith.index_cast %rem3A_203 : i32 to index
        %swap3A_843 = arith.index_cast %scan3A_313 : i32 to index
        %swap3A_844 = arith.constant 80 : index
        %swap3A_845 = tpu.vector_load %arg7[%swap3A_842, %swap3A_843, %swap3A_844] {strides = array<i32>} : memref<2x80x128xf32, #tpu.memory_space<vmem>>, vector<16xf32>,
        tpu.vector_store %arg7[%swap3A_842, %swap3A_843, %swap3A_844], %add3A_841 {strides = array<i32>} : memref<2x80x128xf32, #tpu.memory_space<vmem>>, vector<16xf32>,
        %mul3A_846 = arith.mulf %get3A_355, %gather3A_701 : vector<16xf32>
        %mul3A_847 = arith.mulf %mul3A_778, %get3A_403 : vector<16xf32>
        %add3A_848 = arith.addf %mul3A_846, %mul3A_847 : vector<16xf32>
        %mul3A_849 = arith.mulf %mul3A_779, %get3A_451 : vector<16xf32>
        %add3A_850 = arith.addf %add3A_848, %mul3A_849 : vector<16xf32>
        %mul3A_851 = arith.mulf %mul3A_780, %get3A_499 : vector<16xf32>
        %add3A_852 = arith.addf %add3A_850, %mul3A_851 : vector<16xf32>
        %swap3A_853 = arith.index_cast %rem3A_203 : i32 to index
        %swap3A_854 = arith.index_cast %scan3A_313 : i32 to index
        %swap3A_855 = arith.constant 96 : index
        %swap3A_856 = tpu.vector_load %arg7[%swap3A_853, %swap3A_854, %swap3A_855] {strides = array<i32>} : memref<2x80x128xf32, #tpu.memory_space<vmem>>, vector<16xf32>,
        tpu.vector_store %arg7[%swap3A_853, %swap3A_854, %swap3A_855], %add3A_852 {strides = array<i32>} : memref<2x80x128xf32, #tpu.memory_space<vmem>>, vector<16xf32>,
        %mul3A_857 = arith.mulf %get3A_361, %gather3A_701 : vector<16xf32>
        %mul3A_858 = arith.mulf %mul3A_778, %get3A_409 : vector<16xf32>
        %add3A_859 = arith.addf %mul3A_857, %mul3A_858 : vector<16xf32>
        %mul3A_860 = arith.mulf %mul3A_779, %get3A_457 : vector<16xf32>
        %add3A_861 = arith.addf %add3A_859, %mul3A_860 : vector<16xf32>
        %mul3A_862 = arith.mulf %mul3A_780, %get3A_505 : vector<16xf32>
        %add3A_863 = arith.addf %add3A_861, %mul3A_862 : vector<16xf32>
        %swap3A_864 = arith.index_cast %rem3A_203 : i32 to index
        %swap3A_865 = arith.index_cast %scan3A_313 : i32 to index
        %swap3A_866 = arith.constant 112 : index
        %swap3A_867 = tpu.vector_load %arg7[%swap3A_864, %swap3A_865, %swap3A_866] {strides = array<i32>} : memref<2x80x128xf32, #tpu.memory_space<vmem>>, vector<16xf32>,
        tpu.vector_store %arg7[%swap3A_864, %swap3A_865, %swap3A_866], %add3A_863 {strides = array<i32>} : memref<2x80x128xf32, #tpu.memory_space<vmem>>, vector<16xf32>,
        %mul3A_868 = arith.constant 256 : i32
        %mul3A_869 = arith.muli %rem3A_203, %mul3A_868 : i32
        %add3A_870 = arith.constant 0 : i32
        %add3A_871 = arith.addi %mul3A_869, %add3A_870 : i32
        %add3A_872 = arith.addi %add3A_871, %scan3A_313 : i32
        %swap3A_873 = arith.index_cast %add3A_872 : i32 to index
        %swap3A_874 = tpu.vector_load %arg8[%swap3A_873] masked %eq3A_33 {strides = array<i32>} : memref<512xf32, #tpu.memory_space<vmem>>, vector<16xf32>, vector<16xi1>
        tpu.vector_store %arg8[%swap3A_873], %div3A_775 masked %eq3A_33 {strides = array<i32>} : memref<512xf32, #tpu.memory_space<vmem>>, vector<16xf32>, vector<16xi1>
        %mul3A_875 = arith.constant 256 : i32
        %mul3A_876 = arith.muli %rem3A_203, %mul3A_875 : i32
        %add3A_877 = arith.constant 80 : i32
        %add3A_878 = arith.addi %mul3A_876, %add3A_877 : i32
        %add3A_879 = arith.addi %add3A_878, %scan3A_313 : i32
        %swap3A_880 = arith.index_cast %add3A_879 : i32 to index
        %swap3A_881 = tpu.vector_load %arg8[%swap3A_880] masked %eq3A_33 {strides = array<i32>} : memref<512xf32, #tpu.memory_space<vmem>>, vector<16xf32>, vector<16xi1>
        tpu.vector_store %arg8[%swap3A_880], %div3A_776 masked %eq3A_33 {strides = array<i32>} : memref<512xf32, #tpu.memory_space<vmem>>, vector<16xf32>, vector<16xi1>
        %mul3A_882 = arith.constant 256 : i32
        %mul3A_883 = arith.muli %rem3A_203, %mul3A_882 : i32
        %add3A_884 = arith.constant 160 : i32
        %add3A_885 = arith.addi %mul3A_883, %add3A_884 : i32
        %add3A_886 = arith.addi %add3A_885, %scan3A_313 : i32
        %swap3A_887 = arith.index_cast %add3A_886 : i32 to index
        %swap3A_888 = tpu.vector_load %arg8[%swap3A_887] masked %eq3A_33 {strides = array<i32>} : memref<512xf32, #tpu.memory_space<vmem>>, vector<16xf32>, vector<16xi1>
        tpu.vector_store %arg8[%swap3A_887], %div3A_777 masked %eq3A_33 {strides = array<i32>} : memref<512xf32, #tpu.memory_space<vmem>>, vector<16xf32>, vector<16xi1>
      }
      %scan3A_242 = arith.constant 80 : i32
      %mul3A_243 = arith.constant 32 : i32
      %mul3A_244 = arith.muli %while3A_201, %mul3A_243 : i32
      %add3A_245 = arith.addi %add3A, %mul3A_244 : i32
      %mul3A_246 = arith.constant 80 : i32
      %mul3A_247 = arith.muli %add3A_245, %mul3A_246 : i32
      %dma_start3A_248 = arith.constant 0 : i32
      %dma_start3A_249 = arith.constant 0 : i32
      %dma_start3A_250 = tpu.memref_slice %arg7[%rem3A_203, %dma_start3A_248, %dma_start3A_249] : memref<2x80x128xf32, #tpu.memory_space<vmem>> -> memref<1x80x128xf32, #tpu.memory_space<vmem>>
      %dma_start3A_251 = tpu.memref_squeeze %dma_start3A_250 : memref<1x80x128xf32, #tpu.memory_space<vmem>> -> memref<80x128xf32, #tpu.memory_space<vmem>>
      %dma_start3A_252 = arith.constant 0 : i32
      %dma_start3A_253 = tpu.memref_slice %arg4[%mul3A_247, %dma_start3A_252] : memref<100000x128xf32, #tpu.memory_space<hbm>> -> memref<80x128xf32, #tpu.memory_space<hbm>>
      %dma_start3A_254 = tpu.memref_slice %arg11[%rem3A_203] : memref<2x!tpu.dma_semaphore, #tpu.memory_space<semaphore_mem>> -> memref<1x!tpu.dma_semaphore, #tpu.memory_space<semaphore_mem>>
      %dma_start3A_255 = tpu.memref_squeeze %dma_start3A_254 : memref<1x!tpu.dma_semaphore, #tpu.memory_space<semaphore_mem>> -> memref<!tpu.dma_semaphore, #tpu.memory_space<semaphore_mem>>
      %dma_start3A_256 = arith.constant 0 : i32
      %dma_start3A_257 = tpu.memref_slice %arg4[%mul3A_247, %dma_start3A_256] : memref<100000x128xf32, #tpu.memory_space<hbm>> -> memref<80x128xf32, #tpu.memory_space<hbm>>
      %dma_start3A_258 = arith.constant 0 : i32
      %dma_start3A_259 = arith.constant 0 : i32
      %dma_start3A_260 = tpu.memref_slice %arg7[%rem3A_203, %dma_start3A_258, %dma_start3A_259] : memref<2x80x128xf32, #tpu.memory_space<vmem>> -> memref<1x80x128xf32, #tpu.memory_space<vmem>>
      %dma_start3A_261 = tpu.memref_squeeze %dma_start3A_260 : memref<1x80x128xf32, #tpu.memory_space<vmem>> -> memref<80x128xf32, #tpu.memory_space<vmem>>
      tpu.enqueue_dma source(%dma_start3A_261 : memref<80x128xf32, #tpu.memory_space<vmem>>) target(%dma_start3A_257 : memref<80x128xf32, #tpu.memory_space<hbm>>) target_semaphore(%dma_start3A_255 : memref<!tpu.dma_semaphore, #tpu.memory_space<semaphore_mem>>)
      %mul3A_262 = arith.constant 256 : i32
      %mul3A_263 = arith.muli %rem3A_203, %mul3A_262 : i32
      %add3A_264 = arith.constant 0 : i32
      %add3A_265 = arith.addi %mul3A_263, %add3A_264 : i32
      %mul3A_266 = arith.constant 32 : i32
      %mul3A_267 = arith.muli %while3A_201, %mul3A_266 : i32
      %add3A_268 = arith.addi %add3A, %mul3A_267 : i32
      %mul3A_269 = arith.constant 80 : i32
      %mul3A_270 = arith.muli %add3A_268, %mul3A_269 : i32
      %add3A_271 = arith.constant 0 : i32
      %add3A_272 = arith.addi %add3A_271, %mul3A_270 : i32
      %dma_start3A_273 = tpu.memref_slice %arg8[%add3A_265] : memref<512xf32, #tpu.memory_space<vmem>> -> memref<80xf32, #tpu.memory_space<vmem>>
      %dma_start3A_274 = tpu.memref_slice %arg5[%add3A_272] : memref<300000xf32, #tpu.memory_space<hbm>> -> memref<80xf32, #tpu.memory_space<hbm>>
      %dma_start3A_275 = tpu.memref_slice %arg11[%rem3A_203] : memref<2x!tpu.dma_semaphore, #tpu.memory_space<semaphore_mem>> -> memref<1x!tpu.dma_semaphore, #tpu.memory_space<semaphore_mem>>
      %dma_start3A_276 = tpu.memref_squeeze %dma_start3A_275 : memref<1x!tpu.dma_semaphore, #tpu.memory_space<semaphore_mem>> -> memref<!tpu.dma_semaphore, #tpu.memory_space<semaphore_mem>>
      %dma_start3A_277 = tpu.memref_slice %arg5[%add3A_272] : memref<300000xf32, #tpu.memory_space<hbm>> -> memref<80xf32, #tpu.memory_space<hbm>>
      %dma_start3A_278 = tpu.memref_slice %arg8[%add3A_265] : memref<512xf32, #tpu.memory_space<vmem>> -> memref<80xf32, #tpu.memory_space<vmem>>
      tpu.enqueue_dma source(%dma_start3A_278 : memref<80xf32, #tpu.memory_space<vmem>>) target(%dma_start3A_277 : memref<80xf32, #tpu.memory_space<hbm>>) target_semaphore(%dma_start3A_276 : memref<!tpu.dma_semaphore, #tpu.memory_space<semaphore_mem>>)
      %mul3A_279 = arith.constant 256 : i32
      %mul3A_280 = arith.muli %rem3A_203, %mul3A_279 : i32
      %add3A_281 = arith.constant 80 : i32
      %add3A_282 = arith.addi %mul3A_280, %add3A_281 : i32
      %mul3A_283 = arith.constant 32 : i32
      %mul3A_284 = arith.muli %while3A_201, %mul3A_283 : i32
      %add3A_285 = arith.addi %add3A, %mul3A_284 : i32
      %mul3A_286 = arith.constant 80 : i32
      %mul3A_287 = arith.muli %add3A_285, %mul3A_286 : i32
      %add3A_288 = arith.constant 100000 : i32
      %add3A_289 = arith.addi %add3A_288, %mul3A_287 : i32
      %dma_start3A_290 = tpu.memref_slice %arg8[%add3A_282] : memref<512xf32, #tpu.memory_space<vmem>> -> memref<80xf32, #tpu.memory_space<vmem>>
      %dma_start3A_291 = tpu.memref_slice %arg5[%add3A_289] : memref<300000xf32, #tpu.memory_space<hbm>> -> memref<80xf32, #tpu.memory_space<hbm>>
      %dma_start3A_292 = tpu.memref_slice %arg11[%rem3A_203] : memref<2x!tpu.dma_semaphore, #tpu.memory_space<semaphore_mem>> -> memref<1x!tpu.dma_semaphore, #tpu.memory_space<semaphore_mem>>
      %dma_start3A_293 = tpu.memref_squeeze %dma_start3A_292 : memref<1x!tpu.dma_semaphore, #tpu.memory_space<semaphore_mem>> -> memref<!tpu.dma_semaphore, #tpu.memory_space<semaphore_mem>>
      %dma_start3A_294 = tpu.memref_slice %arg5[%add3A_289] : memref<300000xf32, #tpu.memory_space<hbm>> -> memref<80xf32, #tpu.memory_space<hbm>>
      %dma_start3A_295 = tpu.memref_slice %arg8[%add3A_282] : memref<512xf32, #tpu.memory_space<vmem>> -> memref<80xf32, #tpu.memory_space<vmem>>
      tpu.enqueue_dma source(%dma_start3A_295 : memref<80xf32, #tpu.memory_space<vmem>>) target(%dma_start3A_294 : memref<80xf32, #tpu.memory_space<hbm>>) target_semaphore(%dma_start3A_293 : memref<!tpu.dma_semaphore, #tpu.memory_space<semaphore_mem>>)
      %mul3A_296 = arith.constant 256 : i32
      %mul3A_297 = arith.muli %rem3A_203, %mul3A_296 : i32
      %add3A_298 = arith.constant 160 : i32
      %add3A_299 = arith.addi %mul3A_297, %add3A_298 : i32
      %mul3A_300 = arith.constant 32 : i32
      %mul3A_301 = arith.muli %while3A_201, %mul3A_300 : i32
      %add3A_302 = arith.addi %add3A, %mul3A_301 : i32
      %mul3A_303 = arith.constant 80 : i32
      %mul3A_304 = arith.muli %add3A_302, %mul3A_303 : i32
      %add3A_305 = arith.constant 200000 : i32
      %add3A_306 = arith.addi %add3A_305, %mul3A_304 : i32
      %dma_start3A_307 = tpu.memref_slice %arg8[%add3A_299] : memref<512xf32, #tpu.memory_space<vmem>> -> memref<80xf32, #tpu.memory_space<vmem>>
      %dma_start3A_308 = tpu.memref_slice %arg5[%add3A_306] : memref<300000xf32, #tpu.memory_space<hbm>> -> memref<80xf32, #tpu.memory_space<hbm>>
      %dma_start3A_309 = tpu.memref_slice %arg11[%rem3A_203] : memref<2x!tpu.dma_semaphore, #tpu.memory_space<semaphore_mem>> -> memref<1x!tpu.dma_semaphore, #tpu.memory_space<semaphore_mem>>
      %dma_start3A_310 = tpu.memref_squeeze %dma_start3A_309 : memref<1x!tpu.dma_semaphore, #tpu.memory_space<semaphore_mem>> -> memref<!tpu.dma_semaphore, #tpu.memory_space<semaphore_mem>>
      %dma_start3A_311 = tpu.memref_slice %arg5[%add3A_306] : memref<300000xf32, #tpu.memory_space<hbm>> -> memref<80xf32, #tpu.memory_space<hbm>>
      %dma_start3A_312 = tpu.memref_slice %arg8[%add3A_299] : memref<512xf32, #tpu.memory_space<vmem>> -> memref<80xf32, #tpu.memory_space<vmem>>
      tpu.enqueue_dma source(%dma_start3A_312 : memref<80xf32, #tpu.memory_space<vmem>>) target(%dma_start3A_311 : memref<80xf32, #tpu.memory_space<hbm>>) target_semaphore(%dma_start3A_310 : memref<!tpu.dma_semaphore, #tpu.memory_space<semaphore_mem>>)
    }
    %ge3A = arith.constant 2 : i32
    %ge3A_118 = arith.cmpi sge, %select_n3A, %ge3A : i32
    %convert_element_type3A = arith.extui %ge3A_118 : i1 to i32
    %cond3A = arith.constant 0 : i32
    %cond3A_119 = arith.cmpi ne, %convert_element_type3A, %cond3A : i32
    scf.if %cond3A_119 {
      %rem3A_201 = arith.constant 2 : i32
      %rem3A_202 = arith.remsi %select_n3A, %rem3A_201 : i32
      %sub3A_203 = arith.constant 2 : i32
      %sub3A_204 = arith.subi %select_n3A, %sub3A_203 : i32
      %mul3A_205 = arith.constant 32 : i32
      %mul3A_206 = arith.muli %sub3A_204, %mul3A_205 : i32
      %add3A_207 = arith.addi %add3A, %mul3A_206 : i32
      %mul3A_208 = arith.constant 80 : i32
      %mul3A_209 = arith.muli %add3A_207, %mul3A_208 : i32
      %dma_wait3A_210 = arith.constant 0 : i32
      %dma_wait3A_211 = arith.constant 0 : i32
      %dma_wait3A_212 = tpu.memref_slice %arg7[%rem3A_202, %dma_wait3A_210, %dma_wait3A_211] : memref<2x80x128xf32, #tpu.memory_space<vmem>> -> memref<1x80x128xf32, #tpu.memory_space<vmem>>
      %dma_wait3A_213 = tpu.memref_squeeze %dma_wait3A_212 : memref<1x80x128xf32, #tpu.memory_space<vmem>> -> memref<80x128xf32, #tpu.memory_space<vmem>>
      %dma_wait3A_214 = arith.constant 0 : i32
      %dma_wait3A_215 = tpu.memref_slice %arg4[%mul3A_209, %dma_wait3A_214] : memref<100000x128xf32, #tpu.memory_space<hbm>> -> memref<80x128xf32, #tpu.memory_space<hbm>>
      %dma_wait3A_216 = tpu.memref_slice %arg11[%rem3A_202] : memref<2x!tpu.dma_semaphore, #tpu.memory_space<semaphore_mem>> -> memref<1x!tpu.dma_semaphore, #tpu.memory_space<semaphore_mem>>
      %dma_wait3A_217 = tpu.memref_squeeze %dma_wait3A_216 : memref<1x!tpu.dma_semaphore, #tpu.memory_space<semaphore_mem>> -> memref<!tpu.dma_semaphore, #tpu.memory_space<semaphore_mem>>
      %dma_wait3A_218 = arith.constant 0 : i32
      %dma_wait3A_219 = tpu.memref_slice %arg4[%mul3A_209, %dma_wait3A_218] : memref<100000x128xf32, #tpu.memory_space<hbm>> -> memref<80x128xf32, #tpu.memory_space<hbm>>
      %dma_wait3A_220 = arith.constant 0 : i32
      %dma_wait3A_221 = arith.constant 0 : i32
      %dma_wait3A_222 = tpu.memref_slice %arg7[%rem3A_202, %dma_wait3A_220, %dma_wait3A_221] : memref<2x80x128xf32, #tpu.memory_space<vmem>> -> memref<1x80x128xf32, #tpu.memory_space<vmem>>
      %dma_wait3A_223 = tpu.memref_squeeze %dma_wait3A_222 : memref<1x80x128xf32, #tpu.memory_space<vmem>> -> memref<80x128xf32, #tpu.memory_space<vmem>>
      tpu.wait_dma2 semaphore(%dma_wait3A_217 : memref<!tpu.dma_semaphore, #tpu.memory_space<semaphore_mem>>) src(%dma_wait3A_223 : memref<80x128xf32, #tpu.memory_space<vmem>>) dst(%dma_wait3A_219 : memref<80x128xf32, #tpu.memory_space<hbm>>)
      %sub3A_224 = arith.constant 2 : i32
      %sub3A_225 = arith.subi %select_n3A, %sub3A_224 : i32
      %mul3A_226 = arith.constant 256 : i32
      %mul3A_227 = arith.muli %rem3A_202, %mul3A_226 : i32
      %add3A_228 = arith.constant 0 : i32
      %add3A_229 = arith.addi %mul3A_227, %add3A_228 : i32
      %mul3A_230 = arith.constant 32 : i32
      %mul3A_231 = arith.muli %sub3A_225, %mul3A_230 : i32
      %add3A_232 = arith.addi %add3A, %mul3A_231 : i32
      %mul3A_233 = arith.constant 80 : i32
      %mul3A_234 = arith.muli %add3A_232, %mul3A_233 : i32
      %add3A_235 = arith.constant 0 : i32
      %add3A_236 = arith.addi %add3A_235, %mul3A_234 : i32
      %dma_wait3A_237 = tpu.memref_slice %arg8[%add3A_229] : memref<512xf32, #tpu.memory_space<vmem>> -> memref<80xf32, #tpu.memory_space<vmem>>
      %dma_wait3A_238 = tpu.memref_slice %arg5[%add3A_236] : memref<300000xf32, #tpu.memory_space<hbm>> -> memref<80xf32, #tpu.memory_space<hbm>>
      %dma_wait3A_239 = tpu.memref_slice %arg11[%rem3A_202] : memref<2x!tpu.dma_semaphore, #tpu.memory_space<semaphore_mem>> -> memref<1x!tpu.dma_semaphore, #tpu.memory_space<semaphore_mem>>
      %dma_wait3A_240 = tpu.memref_squeeze %dma_wait3A_239 : memref<1x!tpu.dma_semaphore, #tpu.memory_space<semaphore_mem>> -> memref<!tpu.dma_semaphore, #tpu.memory_space<semaphore_mem>>
      %dma_wait3A_241 = tpu.memref_slice %arg5[%add3A_236] : memref<300000xf32, #tpu.memory_space<hbm>> -> memref<80xf32, #tpu.memory_space<hbm>>
      %dma_wait3A_242 = tpu.memref_slice %arg8[%add3A_229] : memref<512xf32, #tpu.memory_space<vmem>> -> memref<80xf32, #tpu.memory_space<vmem>>
      tpu.wait_dma2 semaphore(%dma_wait3A_240 : memref<!tpu.dma_semaphore, #tpu.memory_space<semaphore_mem>>) src(%dma_wait3A_242 : memref<80xf32, #tpu.memory_space<vmem>>) dst(%dma_wait3A_241 : memref<80xf32, #tpu.memory_space<hbm>>)
      %sub3A_243 = arith.constant 2 : i32
      %sub3A_244 = arith.subi %select_n3A, %sub3A_243 : i32
      %mul3A_245 = arith.constant 256 : i32
      %mul3A_246 = arith.muli %rem3A_202, %mul3A_245 : i32
      %add3A_247 = arith.constant 80 : i32
      %add3A_248 = arith.addi %mul3A_246, %add3A_247 : i32
      %mul3A_249 = arith.constant 32 : i32
      %mul3A_250 = arith.muli %sub3A_244, %mul3A_249 : i32
      %add3A_251 = arith.addi %add3A, %mul3A_250 : i32
      %mul3A_252 = arith.constant 80 : i32
      %mul3A_253 = arith.muli %add3A_251, %mul3A_252 : i32
      %add3A_254 = arith.constant 100000 : i32
      %add3A_255 = arith.addi %add3A_254, %mul3A_253 : i32
      %dma_wait3A_256 = tpu.memref_slice %arg8[%add3A_248] : memref<512xf32, #tpu.memory_space<vmem>> -> memref<80xf32, #tpu.memory_space<vmem>>
      %dma_wait3A_257 = tpu.memref_slice %arg5[%add3A_255] : memref<300000xf32, #tpu.memory_space<hbm>> -> memref<80xf32, #tpu.memory_space<hbm>>
      %dma_wait3A_258 = tpu.memref_slice %arg11[%rem3A_202] : memref<2x!tpu.dma_semaphore, #tpu.memory_space<semaphore_mem>> -> memref<1x!tpu.dma_semaphore, #tpu.memory_space<semaphore_mem>>
      %dma_wait3A_259 = tpu.memref_squeeze %dma_wait3A_258 : memref<1x!tpu.dma_semaphore, #tpu.memory_space<semaphore_mem>> -> memref<!tpu.dma_semaphore, #tpu.memory_space<semaphore_mem>>
      %dma_wait3A_260 = tpu.memref_slice %arg5[%add3A_255] : memref<300000xf32, #tpu.memory_space<hbm>> -> memref<80xf32, #tpu.memory_space<hbm>>
      %dma_wait3A_261 = tpu.memref_slice %arg8[%add3A_248] : memref<512xf32, #tpu.memory_space<vmem>> -> memref<80xf32, #tpu.memory_space<vmem>>
      tpu.wait_dma2 semaphore(%dma_wait3A_259 : memref<!tpu.dma_semaphore, #tpu.memory_space<semaphore_mem>>) src(%dma_wait3A_261 : memref<80xf32, #tpu.memory_space<vmem>>) dst(%dma_wait3A_260 : memref<80xf32, #tpu.memory_space<hbm>>)
      %sub3A_262 = arith.constant 2 : i32
      %sub3A_263 = arith.subi %select_n3A, %sub3A_262 : i32
      %mul3A_264 = arith.constant 256 : i32
      %mul3A_265 = arith.muli %rem3A_202, %mul3A_264 : i32
      %add3A_266 = arith.constant 160 : i32
      %add3A_267 = arith.addi %mul3A_265, %add3A_266 : i32
      %mul3A_268 = arith.constant 32 : i32
      %mul3A_269 = arith.muli %sub3A_263, %mul3A_268 : i32
      %add3A_270 = arith.addi %add3A, %mul3A_269 : i32
      %mul3A_271 = arith.constant 80 : i32
      %mul3A_272 = arith.muli %add3A_270, %mul3A_271 : i32
      %add3A_273 = arith.constant 200000 : i32
      %add3A_274 = arith.addi %add3A_273, %mul3A_272 : i32
      %dma_wait3A_275 = tpu.memref_slice %arg8[%add3A_267] : memref<512xf32, #tpu.memory_space<vmem>> -> memref<80xf32, #tpu.memory_space<vmem>>
      %dma_wait3A_276 = tpu.memref_slice %arg5[%add3A_274] : memref<300000xf32, #tpu.memory_space<hbm>> -> memref<80xf32, #tpu.memory_space<hbm>>
      %dma_wait3A_277 = tpu.memref_slice %arg11[%rem3A_202] : memref<2x!tpu.dma_semaphore, #tpu.memory_space<semaphore_mem>> -> memref<1x!tpu.dma_semaphore, #tpu.memory_space<semaphore_mem>>
      %dma_wait3A_278 = tpu.memref_squeeze %dma_wait3A_277 : memref<1x!tpu.dma_semaphore, #tpu.memory_space<semaphore_mem>> -> memref<!tpu.dma_semaphore, #tpu.memory_space<semaphore_mem>>
      %dma_wait3A_279 = tpu.memref_slice %arg5[%add3A_274] : memref<300000xf32, #tpu.memory_space<hbm>> -> memref<80xf32, #tpu.memory_space<hbm>>
      %dma_wait3A_280 = tpu.memref_slice %arg8[%add3A_267] : memref<512xf32, #tpu.memory_space<vmem>> -> memref<80xf32, #tpu.memory_space<vmem>>
      tpu.wait_dma2 semaphore(%dma_wait3A_278 : memref<!tpu.dma_semaphore, #tpu.memory_space<semaphore_mem>>) src(%dma_wait3A_280 : memref<80xf32, #tpu.memory_space<vmem>>) dst(%dma_wait3A_279 : memref<80xf32, #tpu.memory_space<hbm>>)
    } else {
    }
    %sub3A_120 = arith.constant 1 : i32
    %sub3A_121 = arith.subi %select_n3A, %sub3A_120 : i32
    %rem3A_122 = arith.constant 2 : i32
    %rem3A_123 = arith.remsi %sub3A_121, %rem3A_122 : i32
    %sub3A_124 = arith.constant 1 : i32
    %sub3A_125 = arith.subi %select_n3A, %sub3A_124 : i32
    %mul3A_126 = arith.constant 32 : i32
    %mul3A_127 = arith.muli %sub3A_125, %mul3A_126 : i32
    %add3A_128 = arith.addi %add3A, %mul3A_127 : i32
    %mul3A_129 = arith.constant 80 : i32
    %mul3A_130 = arith.muli %add3A_128, %mul3A_129 : i32
    %dma_wait3A = arith.constant 0 : i32
    %dma_wait3A_131 = arith.constant 0 : i32
    %dma_wait3A_132 = tpu.memref_slice %arg7[%rem3A_123, %dma_wait3A, %dma_wait3A_131] : memref<2x80x128xf32, #tpu.memory_space<vmem>> -> memref<1x80x128xf32, #tpu.memory_space<vmem>>
    %dma_wait3A_133 = tpu.memref_squeeze %dma_wait3A_132 : memref<1x80x128xf32, #tpu.memory_space<vmem>> -> memref<80x128xf32, #tpu.memory_space<vmem>>
    %dma_wait3A_134 = arith.constant 0 : i32
    %dma_wait3A_135 = tpu.memref_slice %arg4[%mul3A_130, %dma_wait3A_134] : memref<100000x128xf32, #tpu.memory_space<hbm>> -> memref<80x128xf32, #tpu.memory_space<hbm>>
    %dma_wait3A_136 = tpu.memref_slice %arg11[%rem3A_123] : memref<2x!tpu.dma_semaphore, #tpu.memory_space<semaphore_mem>> -> memref<1x!tpu.dma_semaphore, #tpu.memory_space<semaphore_mem>>
    %dma_wait3A_137 = tpu.memref_squeeze %dma_wait3A_136 : memref<1x!tpu.dma_semaphore, #tpu.memory_space<semaphore_mem>> -> memref<!tpu.dma_semaphore, #tpu.memory_space<semaphore_mem>>
    %dma_wait3A_138 = arith.constant 0 : i32
    %dma_wait3A_139 = tpu.memref_slice %arg4[%mul3A_130, %dma_wait3A_138] : memref<100000x128xf32, #tpu.memory_space<hbm>> -> memref<80x128xf32, #tpu.memory_space<hbm>>
    %dma_wait3A_140 = arith.constant 0 : i32
    %dma_wait3A_141 = arith.constant 0 : i32
    %dma_wait3A_142 = tpu.memref_slice %arg7[%rem3A_123, %dma_wait3A_140, %dma_wait3A_141] : memref<2x80x128xf32, #tpu.memory_space<vmem>> -> memref<1x80x128xf32, #tpu.memory_space<vmem>>
    %dma_wait3A_143 = tpu.memref_squeeze %dma_wait3A_142 : memref<1x80x128xf32, #tpu.memory_space<vmem>> -> memref<80x128xf32, #tpu.memory_space<vmem>>
    tpu.wait_dma2 semaphore(%dma_wait3A_137 : memref<!tpu.dma_semaphore, #tpu.memory_space<semaphore_mem>>) src(%dma_wait3A_143 : memref<80x128xf32, #tpu.memory_space<vmem>>) dst(%dma_wait3A_139 : memref<80x128xf32, #tpu.memory_space<hbm>>)
    %sub3A_144 = arith.constant 1 : i32
    %sub3A_145 = arith.subi %select_n3A, %sub3A_144 : i32
    %mul3A_146 = arith.constant 256 : i32
    %mul3A_147 = arith.muli %rem3A_123, %mul3A_146 : i32
    %add3A_148 = arith.constant 0 : i32
    %add3A_149 = arith.addi %mul3A_147, %add3A_148 : i32
    %mul3A_150 = arith.constant 32 : i32
    %mul3A_151 = arith.muli %sub3A_145, %mul3A_150 : i32
    %add3A_152 = arith.addi %add3A, %mul3A_151 : i32
    %mul3A_153 = arith.constant 80 : i32
    %mul3A_154 = arith.muli %add3A_152, %mul3A_153 : i32
    %add3A_155 = arith.constant 0 : i32
    %add3A_156 = arith.addi %add3A_155, %mul3A_154 : i32
    %dma_wait3A_157 = tpu.memref_slice %arg8[%add3A_149] : memref<512xf32, #tpu.memory_space<vmem>> -> memref<80xf32, #tpu.memory_space<vmem>>
    %dma_wait3A_158 = tpu.memref_slice %arg5[%add3A_156] : memref<300000xf32, #tpu.memory_space<hbm>> -> memref<80xf32, #tpu.memory_space<hbm>>
    %dma_wait3A_159 = tpu.memref_slice %arg11[%rem3A_123] : memref<2x!tpu.dma_semaphore, #tpu.memory_space<semaphore_mem>> -> memref<1x!tpu.dma_semaphore, #tpu.memory_space<semaphore_mem>>
    %dma_wait3A_160 = tpu.memref_squeeze %dma_wait3A_159 : memref<1x!tpu.dma_semaphore, #tpu.memory_space<semaphore_mem>> -> memref<!tpu.dma_semaphore, #tpu.memory_space<semaphore_mem>>
    %dma_wait3A_161 = tpu.memref_slice %arg5[%add3A_156] : memref<300000xf32, #tpu.memory_space<hbm>> -> memref<80xf32, #tpu.memory_space<hbm>>
    %dma_wait3A_162 = tpu.memref_slice %arg8[%add3A_149] : memref<512xf32, #tpu.memory_space<vmem>> -> memref<80xf32, #tpu.memory_space<vmem>>
    tpu.wait_dma2 semaphore(%dma_wait3A_160 : memref<!tpu.dma_semaphore, #tpu.memory_space<semaphore_mem>>) src(%dma_wait3A_162 : memref<80xf32, #tpu.memory_space<vmem>>) dst(%dma_wait3A_161 : memref<80xf32, #tpu.memory_space<hbm>>)
    %sub3A_163 = arith.constant 1 : i32
    %sub3A_164 = arith.subi %select_n3A, %sub3A_163 : i32
    %mul3A_165 = arith.constant 256 : i32
    %mul3A_166 = arith.muli %rem3A_123, %mul3A_165 : i32
    %add3A_167 = arith.constant 80 : i32
    %add3A_168 = arith.addi %mul3A_166, %add3A_167 : i32
    %mul3A_169 = arith.constant 32 : i32
    %mul3A_170 = arith.muli %sub3A_164, %mul3A_169 : i32
    %add3A_171 = arith.addi %add3A, %mul3A_170 : i32
    %mul3A_172 = arith.constant 80 : i32
    %mul3A_173 = arith.muli %add3A_171, %mul3A_172 : i32
    %add3A_174 = arith.constant 100000 : i32
    %add3A_175 = arith.addi %add3A_174, %mul3A_173 : i32
    %dma_wait3A_176 = tpu.memref_slice %arg8[%add3A_168] : memref<512xf32, #tpu.memory_space<vmem>> -> memref<80xf32, #tpu.memory_space<vmem>>
    %dma_wait3A_177 = tpu.memref_slice %arg5[%add3A_175] : memref<300000xf32, #tpu.memory_space<hbm>> -> memref<80xf32, #tpu.memory_space<hbm>>
    %dma_wait3A_178 = tpu.memref_slice %arg11[%rem3A_123] : memref<2x!tpu.dma_semaphore, #tpu.memory_space<semaphore_mem>> -> memref<1x!tpu.dma_semaphore, #tpu.memory_space<semaphore_mem>>
    %dma_wait3A_179 = tpu.memref_squeeze %dma_wait3A_178 : memref<1x!tpu.dma_semaphore, #tpu.memory_space<semaphore_mem>> -> memref<!tpu.dma_semaphore, #tpu.memory_space<semaphore_mem>>
    %dma_wait3A_180 = tpu.memref_slice %arg5[%add3A_175] : memref<300000xf32, #tpu.memory_space<hbm>> -> memref<80xf32, #tpu.memory_space<hbm>>
    %dma_wait3A_181 = tpu.memref_slice %arg8[%add3A_168] : memref<512xf32, #tpu.memory_space<vmem>> -> memref<80xf32, #tpu.memory_space<vmem>>
    tpu.wait_dma2 semaphore(%dma_wait3A_179 : memref<!tpu.dma_semaphore, #tpu.memory_space<semaphore_mem>>) src(%dma_wait3A_181 : memref<80xf32, #tpu.memory_space<vmem>>) dst(%dma_wait3A_180 : memref<80xf32, #tpu.memory_space<hbm>>)
    %sub3A_182 = arith.constant 1 : i32
    %sub3A_183 = arith.subi %select_n3A, %sub3A_182 : i32
    %mul3A_184 = arith.constant 256 : i32
    %mul3A_185 = arith.muli %rem3A_123, %mul3A_184 : i32
    %add3A_186 = arith.constant 160 : i32
    %add3A_187 = arith.addi %mul3A_185, %add3A_186 : i32
    %mul3A_188 = arith.constant 32 : i32
    %mul3A_189 = arith.muli %sub3A_183, %mul3A_188 : i32
    %add3A_190 = arith.addi %add3A, %mul3A_189 : i32
    %mul3A_191 = arith.constant 80 : i32
    %mul3A_192 = arith.muli %add3A_190, %mul3A_191 : i32
    %add3A_193 = arith.constant 200000 : i32
    %add3A_194 = arith.addi %add3A_193, %mul3A_192 : i32
    %dma_wait3A_195 = tpu.memref_slice %arg8[%add3A_187] : memref<512xf32, #tpu.memory_space<vmem>> -> memref<80xf32, #tpu.memory_space<vmem>>
    %dma_wait3A_196 = tpu.memref_slice %arg5[%add3A_194] : memref<300000xf32, #tpu.memory_space<hbm>> -> memref<80xf32, #tpu.memory_space<hbm>>
    %dma_wait3A_197 = tpu.memref_slice %arg11[%rem3A_123] : memref<2x!tpu.dma_semaphore, #tpu.memory_space<semaphore_mem>> -> memref<1x!tpu.dma_semaphore, #tpu.memory_space<semaphore_mem>>
    %dma_wait3A_198 = tpu.memref_squeeze %dma_wait3A_197 : memref<1x!tpu.dma_semaphore, #tpu.memory_space<semaphore_mem>> -> memref<!tpu.dma_semaphore, #tpu.memory_space<semaphore_mem>>
    %dma_wait3A_199 = tpu.memref_slice %arg5[%add3A_194] : memref<300000xf32, #tpu.memory_space<hbm>> -> memref<80xf32, #tpu.memory_space<hbm>>
    %dma_wait3A_200 = tpu.memref_slice %arg8[%add3A_187] : memref<512xf32, #tpu.memory_space<vmem>> -> memref<80xf32, #tpu.memory_space<vmem>>
    tpu.wait_dma2 semaphore(%dma_wait3A_198 : memref<!tpu.dma_semaphore, #tpu.memory_space<semaphore_mem>>) src(%dma_wait3A_200 : memref<80xf32, #tpu.memory_space<vmem>>) dst(%dma_wait3A_199 : memref<80xf32, #tpu.memory_space<hbm>>)
    return
  }
}

</mosaic_0001>

<sc_bundles>
// kernel: kernel.3.cloned.1.call-start
scs
__scs_entry_jumppad:
0x0: {  	(pc) =	sbr.rel $0x88, $3  }
0x1: {  	(tag) =	ssettag $0x0;
	lr =	simm.s32 $0x1  }
0x2: {  	[smem:$0x3F9E] =	sst lr;
	_ =	strace $0xD0000000  }
0x3: {  	_ = 	snop  }
0x4: {  	_ = 	snop  }
0x5: {  	_ = 	snop  }
0x6: {  	_ = 	snop  }
0x7: {  	_ = 	snop  }
__scs_overlays_trampoline_lowered:
0x8: {  	[smem:$0x3FAD] =	sst s0  }
0x9: {  	[smem:$0x3FAE] =	sst s1  }
0xa: {  	[smem:$0x3FAF] =	sst s2  }
0xb: {  	[smem:$0x3FB0] =	sst s3  }
0xc: {  	[smem:$0x3FB1] =	sst s4  }
0xd: {  	[smem:$0x3FB2] =	sst s5  }
0xe: {  	[smem:$0x3FB3] =	sst s6  }
0xf: {  	[smem:$0x3FB4] =	sst s7  }
0x10: {  	[smem:$0x3FB5] =	sst s8  }
0x11: {  	[smem:$0x3FB6] =	sst s9;
	s0 =	simm.s32 @!p0 $0x0  }
0x12: {  	s1 =	sld [smem:$0x3F9C];
	s0 =	simm.s32 @p0 $0x1  }
0x13: {  	[smem:$0x3FB7] =	sst s0;
	s0 =	simm.s32 @!p1 $0x0  }
0x14: {  	s2 =	sld [smem:$0x3F9B];
	s0 =	simm.s32 @p1 $0x1  }
0x15: {  	[smem:$0x3FB8] =	sst s0;
	s0 =	simm.s32 @!p2 $0x0  }
0x16: {  	s3 =	sld [smem:$0x3FDB];
	s0 =	simm.s32 @p2 $0x1  }
0x17: {  	s4 =	simm.s32 $0x1BF5;
	[smem:$0x3FBA] =	sst s0  }
0x18: {  	s0 =	sld [smem:$0x3F9D];
	_ =	swait.ge [sflag:s4], $0x0  }
0x19: {  	s7 =	sld [smem:$0x3F9E]  }
0x1a: {  	s8 =	sadd.s32 $0xFFFFE003, lr  }
0x1b: {  	s9 =	sadd.s32 $0xFFFFFEF7, lr;
	s5 =	simm.s32 $0xFFFFFFFF;
	p2 =	slt.u32 s8, $0xFFFFF086  }
0x1c: {  	p1 =	slt.u32 s9, $0xF7A;
	s5 =	simm.s32 @!p2 $0x0  }
0x1d: {  	s5 =	simm.s32 @p1 $0x1;
	p0 =	seq.s32 s7, s2  }
0x1e: {  	s7 =	smul.u32 @!p0 $0xF7A, s2;
	p2 =	seq.s32 @!p0 s5, $0x0  }
0x1f: {  	s9 =	smul.u32 $0xF7A, s1;
	s8 =	simm.s32 @!p0 $0x1BF5;
	p2 =	por !p2, p0  }
0x20: {  	[sflag:s8] =	ssyncset.s32 @!p0 $0xFFFFF086;
	s6 =	sadd.s32 @!p0 s3, s7;
	s7 =	simm.s32 @!p0 $0x108  }
0x21: {  	s3 =	sadd.s32 s3, s9;
	s6 =	sadd.s32 @!p0 $0x88, s6;
	s7 =	simm.s32 @p2 $0x1082  }
0x22: {  	[simem:s7], [sflag:s8] =	dma.local @!p0 [hbm:s6], $0xF7A  }
0x23: {  	s9 =	sor.u32 $0xD0000000, s2;
	s6 =	simm.s32 $0x108;
	_ =	swait.ge @!p0 [sflag:s8], $0x0  }
0x24: {  	s3 =	sadd.s32 $0x88, s3;
	s6 =	simm.s32 @!p1 $0x1082;
	[sflag:s4] =	ssyncset.s32 $0xFFFFF086  }
0x25: {  	[simem:s6], [sflag:s4] =	dma.local [hbm:s3], $0xF7A  }
0x26: {  	[smem:$0x3F9E] =	sst s1;
	(tag) =	ssettag s2;
	_ =	strace s9  }
0x27: {  	s1 =	sld [smem:$0x3FAE]  }
0x28: {  	s2 =	sld [smem:$0x3FAF]  }
0x29: {  	s4 =	sld [smem:$0x3FB1]  }
0x2a: {  	p0 =	seq.s32 s5, $0x0;
	s5 =	sld [smem:$0x3FB2]  }
0x2b: {  	s6 =	sld [smem:$0x3FB3]  }
0x2c: {  	s7 =	sld [smem:$0x3FB4]  }
0x2d: {  	s3 =	simm.s32 $0x108;
	s8 =	sld [smem:$0x3FB5]  }
0x2e: {  	s3 =	simm.s32 @!p0 $0x1082;
	s9 =	sld [smem:$0x3FB6]  }
0x2f: {  	lr =	sadd.s32 s0, s3;
	s0 =	sld [smem:$0x3FAD]  }
0x30: {  	s3 =	sld [smem:$0x3FB0]  }
0x31: {  	[smem:$0x3FB9] =	sst s10  }
0x32: {  	s10 =	sld [smem:$0x3FB7];
	_ =	sdelay $0x3  }
0x33: {  	p0 =	seq.s32 s10, $0x1;
	s10 =	sld [smem:$0x3FB9];
	_ =	sdelay $0x3  }
0x34: {  	[smem:$0x3FB9] =	sst s10  }
0x35: {  	s10 =	sld [smem:$0x3FB8];
	_ =	sdelay $0x3  }
0x36: {  	p1 =	seq.s32 s10, $0x1;
	s10 =	sld [smem:$0x3FB9];
	_ =	sdelay $0x3  }
0x37: {  	[smem:$0x3FB9] =	sst s10  }
0x38: {  	s10 =	sld [smem:$0x3FBA]  }
0x39: {  	_ = 	snop;
	(pc) =	sbr.ind lr, $3  }
0x3a: {  	_ = 	snop  }
0x3b: {  	_ = 	snop  }
0x3c: {  	p2 =	seq.s32 s10, $0x1;
	s10 =	sld [smem:$0x3FB9]  }
0x3d: {  	_ =	shalt  }
0x3e: {  	_ =	shalt  }
0x3f: {  	_ =	shalt  }
0x40: {  	_ =	shalt  }
0x41: {  	_ =	shalt  }
0x42: {  	_ =	shalt  }
0x43: {  	_ =	shalt  }
0x44: {  	_ =	shalt  }
0x45: {  	_ =	shalt  }
0x46: {  	_ =	shalt  }
0x47: {  	_ =	shalt  }
0x48: {  	_ =	shalt  }
0x49: {  	_ =	shalt  }
0x4a: {  	_ =	shalt  }
0x4b: {  	_ =	shalt  }
0x4c: {  	_ =	shalt  }
0x4d: {  	_ =	shalt  }
0x4e: {  	_ =	shalt  }
0x4f: {  	_ =	shalt  }
0x50: {  	_ =	shalt  }
0x51: {  	_ =	shalt  }
0x52: {  	_ =	shalt  }
0x53: {  	_ =	shalt  }
0x54: {  	_ =	shalt  }
0x55: {  	_ =	shalt  }
0x56: {  	_ =	shalt  }
0x57: {  	_ =	shalt  }
0x58: {  	_ =	shalt  }
0x59: {  	_ =	shalt  }
0x5a: {  	_ =	shalt  }
0x5b: {  	_ =	shalt  }
0x5c: {  	_ =	shalt  }
0x5d: {  	_ =	shalt  }
0x5e: {  	_ =	shalt  }
0x5f: {  	_ =	shalt  }
0x60: {  	_ =	shalt  }
0x61: {  	_ =	shalt  }
0x62: {  	_ =	shalt  }
0x63: {  	_ =	shalt  }
0x64: {  	_ =	shalt  }
0x65: {  	_ =	shalt  }
0x66: {  	_ =	shalt  }
0x67: {  	_ =	shalt  }
0x68: {  	_ =	shalt  }
0x69: {  	_ =	shalt  }
0x6a: {  	_ =	shalt  }
0x6b: {  	_ =	shalt  }
0x6c: {  	_ =	shalt  }
0x6d: {  	_ =	shalt  }
0x6e: {  	_ =	shalt  }
0x6f: {  	_ =	shalt  }
0x70: {  	_ =	shalt  }
0x71: {  	_ =	shalt  }
0x72: {  	_ =	shalt  }
0x73: {  	_ =	shalt  }
0x74: {  	_ =	shalt  }
0x75: {  	_ =	shalt  }
0x76: {  	_ =	shalt  }
0x77: {  	_ =	shalt  }
0x78: {  	_ =	shalt  }
0x79: {  	_ =	shalt  }
0x7a: {  	_ =	shalt  }
0x7b: {  	_ =	shalt  }
0x7c: {  	_ =	shalt  }
0x7d: {  	_ =	shalt  }
0x7e: {  	_ =	shalt  }
0x7f: {  	_ =	shalt  }
0x80: {  	_ =	shalt  }
0x81: {  	_ =	shalt  }
0x82: {  	_ =	shalt  }
0x83: {  	_ =	shalt  }
0x84: {  	_ =	shalt  }
0x85: {  	_ =	shalt  }
0x86: {  	_ =	shalt  }
0x87: {  	_ =	shalt  }
.Lfunc_end0:
.L_simem_size_0:
called_computation_lowered:
.L_overlay_start_0:
0x88: {  	s2 =	sld [smem:$0x3FD9]  }
0x89: {  	s3 =	sld [smem:$0x3FFE];
	_ =	sdelay $0x1  }
0x8a: {  	s1 =	srdreg.scid  }
0x8b: {  	s0 =	sand.u32 $0x1, s1  }
0x8c: {  	s14 =	sshll.u32 s0, $0xA;
	s2 =	sadd.s32 s3, s2  }
0x8d: {  	s2 =	sadd.s32 s2, s14  }
0x8e: {  	[smem:$0x3FC5] =	sst s2  }
0x8f: {  	_ = 	snop  }
0x90: {  	s2 =	sld [smem:$0x3FD0];
	_ =	sdelay $0x2  }
0x91: {  	s4 =	simm.s32 $0xA;
	s5 =	simm.s32 $0x10;
	s15 =	sld [smem:$0x3FC9]  }
0x92: {  	[smem:s5], [sflag:s4] =	dma.local [hbm:s2], $0x1  }
0x93: {  	_ =	swait.eq [sflag:s4], $0x1  }
0x94: {  	[sflag:s4] =	ssyncset.done $0x0  }
0x95: {  	s16 =	sld [smem:$0x10];
	[sflag:s4] =	ssyncadd.s32 $0xFFFFFFFF  }
0x96: {  	s17 =	sld [smem:$0x11];
	(tm) =	ssettm $0x1  }
0x97: {  	s18 =	sld [smem:$0x3FFB];
	_ =	sdelay $0x3  }
0x98: {  	_ =	strace s18  }
0x99: {  	s5 =	sld [smem:$0x3FFC];
	_ =	sdelay $0x3  }
0x9a: {  	_ =	strace s5  }
0x9b: {  	s5 =	sld [smem:$0x3FFD];
	_ =	sdelay $0x3  }
0x9c: {  	_ =	strace s5  }
0x9d: {  	_ =	strace $0x8FFFFFFF  }
0x9e: {  	s19 =	sld [smem:$0x3FDB];
	_ =	sdelay $0x1  }
0x9f: {  	s6 =	simm.s32 $_scs_section_size  }
0xa0: {  	s7 =	simm.s32 $_size__tile_overlayer_lowered;
	s8 =	simm.s32 $_tile_overlayer_lowered  }
0xa1: {  	s22 =	simm.s32 $0x1BFF;
	s21 =	sshll.u32 s8, $0x1;
	s5 =	sadd.s32 s6, s19  }
0xa2: {  	s9 =	simm.s32 $0x0;
	s20 =	sshll.u32 s7, $0x1;
	s7 =	sadd.s32 s21, s5  }
0xa3: {  	[timem:s9], [sflag:s22] =	dma.local [hbm:s7], s20  }
0xa4: {  	_ =	swait.ge [sflag:s22], s20  }
0xa5: {  	s6 =	ssub.s32 $0x0, s20;
	[sflag:s22] =	ssyncset.done $0x0  }
0xa6: {  	[sflag:s22] =	ssyncadd.s32 s6;
	_ =	sdelay $0x1  }
0xa7: {  	s23 =	simm.s32 $0x1B8B  }
0xa8: {  	_ =	swait.ge [sflag:s23], $0x1  }
0xa9: {  	[sflag:s23] =	ssyncset.done $0x0  }
0xaa: {  	s25 =	simm.s32 $0x1B8E;
	s24 =	sld [smem:$0x3FFE];
	[sflag:s23] =	ssyncadd.s32 $0xFFFFFFFF  }
0xab: {  	s26 =	simm.s32 $execute0_lowered;
	[smem:$0x3FD2] =	sst s25  }
0xac: {  	s7 =	sshll.u32 s26, $0x1;
	_ =	strace $0x80000046;
	[dreg:$0x1] =	wrdreg $0xFFFFFFFF  }
0xad: {  	s28 =	simm.s32 $_size_execute0_lowered;
	s5 =	sadd.s32 s5, s7;
	[dreg:$0x0] =	wrdreg $0x0  }
0xae: {  	s7 =	sshll.u32 s28, $0x1;
	[dreg:$0x2] =	wrdreg s5  }
0xaf: {  	[dreg:$0x3] =	wrdreg s7  }
0xb0: {  	[dreg:$0x4] =	wrdreg $0xC0  }
0xb1: {  	_ =	task [dreg:s9], $0x5FFFF  }
0xb2: {  	[dreg:$0x1] =	wrdreg $0xFFFFFFFF  }
0xb3: {  	[dreg:$0x0] =	wrdreg $0x60  }
0xb4: {  	[dreg:$0x2] =	wrdreg s15  }
0xb5: {  	[dreg:$0x3] =	wrdreg s24  }
0xb6: {  	[dreg:$0x4] =	wrdreg s16  }
0xb7: {  	[dreg:$0x5] =	wrdreg s17  }
0xb8: {  	[dreg:$0x6] =	wrdreg $0x9  }
0xb9: {  	_ =	task.clear_ibuf [dreg:s9], $0x7FFFF;
	_ =	strace $0x90000046  }
0xba: {  	s29 =	simm.s32 $0x9;
	_ =	strace $0x80000048  }
0xbb: {  	_ =	swait.ge [sflag:s29], $0x1  }
0xbc: {  	[sflag:s29] =	ssyncadd.s32 $0xFFFFFFFF  }
0xbd: {  	_ =	strace $0x90000048  }
0xbe: {  	_ =	sfence  }
0xbf: {  	s30 =	sld [smem:$0x0];
	_ =	sdelay $0x2  }
0xc0: {  	s31 =	sshll.u32 s1, $0xD;
	s1 =	sshrl.u32 s1, $0x2  }
0xc1: {  	s3 =	sand.u32 $0x4000, s31;
	s1 =	sadd.s32 s1, s30  }
0xc2: {  	s0 =	sor.u32 s3, s0;
	s1 =	sshll.u32 s1, $0x11  }
0xc3: {  	s0 =	sor.u32 s1, s0  }
0xc4: {  	s0 =	sadd.s32 $0x8F2B, s0  }
0xc5: {  	[sflag:s0] =	ssyncadd.remote.s32 $0x1  }
0xc6: {  	_ =	sfence.sel $0xFFFF  }
0xc7: {  	[dreg:$0x0] =	wrdreg $0xFFFFFFFF;
	(pc) =	sbr.abs _section_cstart, $3  }
0xc8: {  	[dreg:$0x1] =	wrdreg $0xFFFFFFFF  }
0xc9: {  	_ =	task.clear_ibuf [dreg:s9], $0x2FFFF;
	_ =	strace $0x9FFFFFFF  }
0xca: {  	(tm) =	ssettm $0x7FFFFFFF  }
0xcb: {  	_ =	shalt  }
tec
execute0_lowered:
.L_overlay_start_1:
0x0: {  	(tag) =	ssettag $0x1  }
0x1: {  	s1 =	rddreg [dreg:$0x0]  }
0x2: {  	s8 =	rddreg [dreg:$0x1]  }
0x3: {  	s3 =	rddreg [dreg:$0x2];
	s2 =	srdreg.scid  }
0x4: {  	s0 =	stileid.u32;
	s4 =	rddreg [dreg:$0x3];
	s5 =	simm.s32 $0x0  }
0x5: {  	s15 =	simm.s32 $0x2800;
	s16 =	simm.s32 $0xC35000;
	s17 =	simm.s32 $0x0  }
0x6: {  	s7 =	sand.u32 $0x1, s2;
	s6 =	sshll.u32 s0, $0x1;
	s2 =	rddreg [dreg:$0x4]  }
0x7: {  	[smem:$0x7FF] =	sst s5;
	s8 =	sadd.s32 $0x600, s8;
	s6 =	sor.u32 s7, s6  }
0x8: {  	s10 =	ssub.s32 $0x2, s7;
	s9 =	ssub.s32 $0x501, s6;
	s11 =	smul.u32 $0x500, s6  }
0x9: {  	_ =	strace $0x80000047;
	s31 =	sshrl.u32 s10, $0x1;
	s7 =	sshrl.u32 s9, $0x5  }
0xa: {  	s13 =	ssub.s32 s10, s31;
	s12 =	sand.u32 $0x1, s7;
	s9 =	sadd.s32 s1, s11  }
0xb: {  	s14 =	sxor.u32 $0x1, s12;
	s10 =	sadd.s32 $0x3, s12;
	s12 =	smax.u32 s13, $0x1  }
0xc: {  	vm0 =	vmmov $0xf;
	vm1 =	vcmask $0x2F20;
	vm2 =	vmmov $0xff;
	s13 =	simm.s32 $0x19200;
	s11 =	sadd.s32 $0x3, s14;
	s14 =	simm.s32 $0x5  }
.LBB2_1:
0xd: {  	[tilespmem:s13], [sflag:$0x5] =	stream.linear.gather [hbm4b:s8+s5], $0x180, $0x38;
	[tilespmem:$0x19380] =	vst v63  }
0xe: {  	_ =	swait.ge [sflag:s14], $0x180  }
0xf: {  	[sflag:s14] =	ssyncset.done $0x0  }
0x10: {  	[sflag:s14] =	ssyncadd.s32 $0xFFFFFE80  }
0x11: {  	v4 =	vld [tilespmem:$0x19200]  }
0x12: {  	v5 =	vld [tilespmem:$0x19210]  }
0x13: {  	v6 =	vld [tilespmem:$0x19220]  }
0x14: {  	v7 =	vld [tilespmem:$0x19230]  }
0x15: {  	v8 =	vld [tilespmem:$0x19240]  }
0x16: {  	v9 =	vld [tilespmem:$0x19250]  }
0x17: {  	v10 =	vld [tilespmem:$0x19260]  }
0x18: {  	v0 =	vld [tilespmem:$0x19270]  }
0x19: {  	v3 =	vld [tilespmem:$0x19280]  }
0x1a: {  	v12 =	vld [tilespmem:$0x19290]  }
0x1b: {  	v13 =	vld [tilespmem:$0x192A0]  }
0x1c: {  	v14 =	vld [tilespmem:$0x192B0]  }
0x1d: {  	v17 =	vld [tilespmem:$0x192C0]  }
0x1e: {  	v11 =	vld [tilespmem:$0x192E0]  }
0x1f: {  	v16 =	vld [tilespmem:$0x192D0]  }
0x20: {  	v18 =	vld [tilespmem:$0x192F0]  }
0x21: {  	v20 =	vld.msk [tilespmem:$0x19300 ss:$0x0], $0xffff;
	[tilespmem:s5], [sflag:$0x1] =	stream.strided.gather [hbm4b:s9+s15], $0xA000, s16, s15, $0x38  }
0x22: {  	[tilespmem:$0x1FFE0] =	vst v0  }
0x23: {  	p0 =	por $0x0, $0x0;
	s18 =	simm.s32 $0x0;
	[tilespmem:$0x1FFF0] =	vst v11  }
.LBB2_2:
0x24: {  	s20 =	smov.u32 s18;
	s18 =	sadd.s32 $0x1, s18  }
0x25: {  	s19 =	sand.u32 $0x1, s20;
	p1 =	sge.u32 s18, s7  }
0x26: {  	s21 =	sshll.u32 @!p1 s18, $0x5;
	s22 =	sxor.u32 @!p1 $0x1, s19  }
0x27: {  	s21 =	sor.u32 @!p1 s6, s21;
	s23 =	smul.u32 @!p1 $0x28000, s22  }
0x28: {  	s21 =	smul.u32 @!p1 $0x500, s21  }
0x29: {  	s24 =	simm.s32 @!p1 $0x2800;
	s25 =	simm.s32 @!p1 $0xC35000;
	s26 =	sadd.s32 $0x1, s19  }
0x2a: {  	s22 =	sadd.s32 @!p1 $0x1, s22;
	s23 =	sshrl.u32 @!p1 s23, $0x2;
	s21 =	sadd.s32 @!p1 s1, s21  }
0x2b: {  	[tilespmem:s23], [sflag:s22] =	stream.strided.gather @!p1 [hbm4b:s21+s24], $0xA000, s25, s24, $0x38;
	[tilespmem:$0x19380] =	vst v63  }
0x2c: {  	_ =	swait.ge [sflag:s26], $0xA000  }
0x2d: {  	p1 =	slt.u32 s20, $0x2;
	[sflag:s26] =	ssyncset.done $0x0  }
0x2e: {  	s22 =	sadd.s32 @!p1 $0x3, s19;
	[sflag:s26] =	ssyncadd.s32 $0xFFFF6000  }
0x2f: {  	_ =	swait.ge @!p1 [sflag:s22], $0x2800  }
0x30: {  	[sflag:s22] =	ssyncset.done @!p1 $0x0  }
0x31: {  	s28 =	sshll.u32 s19, $0x8;
	s21 =	simm.s32 $0x1;
	[sflag:s22] =	ssyncadd.s32 @!p1 $0xFFFFD800  }
0x32: {  	s20 =	sshll.u32 s20, $0x5;
	s21 =	simm.s32 @!p0 $0x0;
	_ =	swait.ge @!p1 [sflag:s22], $0x50  }
0x33: {  	s24 =	sor.u32 $0x19050, s28;
	s29 =	smul.u32 $0x28000, s21;
	[sflag:s22] =	ssyncset.done @!p1 $0x0  }
0x34: {  	s23 =	sor.u32 s6, s20;
	s31 =	smul.u32 $0xA000, s21;
	[sflag:s22] =	ssyncadd.s32 @!p1 $0xFFFFFFB0  }
0x35: {  	s30 =	sshll.u32 s21, $0x8;
	s20 =	smul.u32 $0x50, s23;
	_ =	swait.ge @!p1 [sflag:s22], $0x50  }
0x36: {  	s26 =	smul.u32 $0xA000, s19;
	s29 =	sshrl.u32 s29, $0x2;
	[sflag:s22] =	ssyncset.done @!p1 $0x0  }
0x37: {  	s21 =	sor.u32 $0x19050, s30;
	s25 =	sshrl.u32 s31, $0x2;
	v21 =	vmov s29;
	[sflag:s22] =	ssyncadd.s32 @!p1 $0xFFFFFFB0  }
0x38: {  	s30 =	sor.u32 $0x14070, s25;
	s31 =	sshrl.u32 s26, $0x2;
	_ =	swait.ge @!p1 [sflag:s22], $0x50  }
0x39: {  	s25 =	sor.u32 $0x19000, s28;
	s26 =	sor.u32 $0x14000, s31;
	[sflag:s22] =	ssyncset.done @!p1 $0x0  }
0x3a: {  	v19 =	vmov s30;
	[sflag:s22] =	ssyncadd.s32 @!p1 $0xFFFFFFB0;
	s22 =	sor.u32 $0x190A0, s28;
	s28 =	simm.s32 $0x0  }
.LBB2_3:
0x3b: {  	s29 =	sshra.s32 s28, $0x2  }
0x3c: {  	v41 =	vld.idx.msk [tilespmem:v21+s29+$0x0 ss:$0x1], $0xffff  }
0x3d: {  	v39 =	vld.idx.msk [tilespmem:v21+s29+$0x10 ss:$0x1], $0xffff  }
0x3e: {  	v36 =	vld.idx.msk [tilespmem:v21+s29+$0x20 ss:$0x1], $0xffff  }
0x3f: {  	v35 =	vld.idx.msk [tilespmem:v21+s29+$0x30 ss:$0x1], $0xffff  }
0x40: {  	v28 =	vld.idx.msk [tilespmem:v21+s29+$0x40 ss:$0x1], $0xffff  }
0x41: {  	v27 =	vld.idx.msk [tilespmem:v21+s29+$0x50 ss:$0x1], $0xffff  }
0x42: {  	v24 =	vld.idx.msk [tilespmem:v21+s29+$0x60 ss:$0x1], $0xffff  }
0x43: {  	v23 =	vld.idx.msk [tilespmem:v21+s29+$0x70 ss:$0x1], $0xffff  }
0x44: {  	v48 =	vld.idx.msk [tilespmem:v21+s29+$0x2800 ss:$0x1], $0xffff  }
0x45: {  	v46 =	vld.idx.msk [tilespmem:v21+s29+$0x2810 ss:$0x1], $0xffff  }
0x46: {  	v38 =	vld.idx.msk [tilespmem:v21+s29+$0x2820 ss:$0x1], $0xffff  }
0x47: {  	v37 =	vld.idx.msk [tilespmem:v21+s29+$0x2830 ss:$0x1], $0xffff  }
0x48: {  	v31 =	vld.idx.msk [tilespmem:v21+s29+$0x2840 ss:$0x1], $0xffff  }
0x49: {  	v29 =	vld.idx.msk [tilespmem:v21+s29+$0x2850 ss:$0x1], $0xffff  }
0x4a: {  	v26 =	vld.idx.msk [tilespmem:v21+s29+$0x2860 ss:$0x1], $0xffff  }
0x4b: {  	v25 =	vld.idx.msk [tilespmem:v21+s29+$0x2870 ss:$0x1], $0xffff  }
0x4c: {  	v50 =	vld.idx.msk [tilespmem:v21+s29+$0x5000 ss:$0x1], $0xffff  }
0x4d: {  	v49 =	vld.idx.msk [tilespmem:v21+s29+$0x5010 ss:$0x1], $0xffff  }
0x4e: {  	v42 =	vld.idx.msk [tilespmem:v21+s29+$0x5020 ss:$0x1], $0xffff;
	v32 =	vmul.f32 v41, v41;
	v43 =	vmul.f32 v39, v39  }
0x4f: {  	v40 =	vld.idx.msk [tilespmem:v21+s29+$0x5030 ss:$0x1], $0xffff;
	v44 =	vmul.f32 v36, v36;
	v45 =	vmul.f32 v35, v35  }
0x50: {  	v33 =	vld.idx.msk [tilespmem:v21+s29+$0x5040 ss:$0x1], $0xffff;
	v47 =	vmul.f32 v28, v28;
	v51 =	vmul.f32 v27, v27  }
0x51: {  	v34 =	vld.idx.msk [tilespmem:v21+s29+$0x5050 ss:$0x1], $0xffff;
	v52 =	vmul.f32 v24, v24;
	v54 =	vmul.f32 v23, v23  }
0x52: {  	v30 =	vld.idx.msk [tilespmem:v21+s29+$0x5060 ss:$0x1], $0xffff;
	v55 =	vmul.f32 v46, v46;
	v56 =	vmul.f32 v38, v38  }
0x53: {  	v53 =	vld.idx.msk [tilespmem:v21+s29+$0x7800 ss:$0x1], $0xffff;
	v57 =	vmul.f32 v37, v37;
	v59 =	vmul.f32 v29, v29  }
0x54: {  	v61 =	vmul.f32 v25, v25;
	v43 =	vadd.f32 v43, v32;
	v44 =	vadd.f32 v45, v44;
	v32 =	vld.idx.msk [tilespmem:v21+s29+$0x5070 ss:$0x1], $0xffff  }
0x55: {  	v62 =	vadd.f32 v51, v47;
	v47 =	vmul.f32 v48, v48;
	v52 =	vadd.f32 v54, v52;
	v54 =	vld.idx.msk [tilespmem:v21+s29+$0x7810 ss:$0x1], $0xffff  }
0x56: {  	v51 =	vld.idx.msk [tilespmem:v21+s29+$0x7820 ss:$0x1], $0xffff;
	v45 =	vmul.f32 v26, v26;
	v63 =	vadd.f32 v57, v56;
	v58 =	vadd.f32 v44, v43  }
0x57: {  	v43 =	vmul.f32 v31, v31;
	v60 =	vadd.f32 v52, v62;
	v52 =	vld.idx.msk [tilespmem:v21+s29+$0x7830 ss:$0x1], $0xffff;
	v47 =	vadd.f32 v55, v47  }
0x58: {  	v44 =	vld.idx.msk [tilespmem:v21+s29+$0x7840 ss:$0x1], $0xffff;
	v57 =	vadd.f32 v61, v45;
	v61 =	vmul.f32 v49, v49;
	v62 =	vmul.f32 v40, v40  }
0x59: {  	v56 =	vadd.f32 v59, v43;
	v43 =	vld.idx.msk [tilespmem:v21+s29+$0x7850 ss:$0x1], $0xffff;
	v55 =	vadd.f32 v63, v47;
	v59 =	vmul.f32 v50, v50  }
0x5a: {  	v47 =	vld.idx.msk [tilespmem:v21+s29+$0x7870 ss:$0x1], $0xffff;
	v58 =	vadd.f32 v60, v58;
	v60 =	vmul.f32 v33, v33;
	v63 =	vmul.f32 v34, v34  }
0x5b: {  	v45 =	vld.idx.msk [tilespmem:v21+s29+$0x7860 ss:$0x1], $0xffff;
	v0 =	vmul.f32 v32, v32;
	v56 =	vadd.f32 v57, v56;
	v57 =	vmul.f32 v42, v42  }
0x5c: {  	(xrf2) =	vadd.scan.msk.f32 $0xffff, v58;
	v58 =	vadd.f32 v61, v59;
	v59 =	vmul.f32 v53, v53;
	v61 =	vmul.f32 v54, v54  }
0x5d: {  	v60 =	vadd.f32 v63, v60;
	v63 =	vmul.f32 v44, v44;
	v55 =	vadd.f32 v56, v55  }
0x5e: {  	v56 =	vmul.f32 v30, v30;
	v1 =	vmul.f32 v43, v43  }
0x5f: {  	v2 =	vmul.f32 v47, v47;
	(xrf2) =	vadd.scan.msk.f32 $0xffff, v55;
	v55 =	vadd.f32 v62, v57;
	v57 =	vmul.f32 v51, v51  }
0x60: {  	v62 =	vmul.f32 v52, v52;
	v0 =	vadd.f32 v0, v56;
	v56 =	vmul.f32 v45, v45  }
0x61: {  	v59 =	vadd.f32 v61, v59;
	v61 =	vmul.f32 v23, v18;
	v1 =	vadd.f32 v1, v63  }
0x62: {  	v63 =	vmul.f32 v29, v9;
	v57 =	vadd.f32 v62, v57;
	v2 =	vadd.f32 v2, v56  }
0x63: {  	v22 =	vld [tilespmem:$0x1FFE0];
	v55 =	vadd.f32 v55, v58;
	v0 =	vadd.f32 v0, v60;
	v56 =	vmul.f32 v36, v13  }
0x64: {  	v58 =	vmul.f32 v28, v17;
	v60 =	vmul.f32 v24, v11;
	v62 =	vadd.f32 v57, v59  }
0x65: {  	v1 =	vadd.f32 v2, v1;
	v0 =	vadd.f32 v0, v55;
	v55 =	vmul.f32 v39, v12  }
0x66: {  	v11 =	vmovc v18;
	v57 =	vmul.f32 v35, v14;
	v59 =	vmul.f32 v27, v16;
	v60 =	vadd.f32 v61, v60  }
0x67: {  	v18 =	vmovc v16;
	v61 =	vmul.f32 v31, v8;
	v16 =	vmovc v14;
	v14 =	vmov v12;
	v1 =	vadd.f32 v1, v62  }
0x68: {  	v12 =	vmul.f32 v25, v22;
	v2, _, _ =	vpop (xrf2);
	(xrf2) =	vadd.scan.msk.f32 $0xffff, v0;
	v58 =	vadd.f32 v59, v58;
	v59 =	vmul.f32 v38, v6  }
0x69: {  	(xrf2) =	vadd.scan.msk.f32 $0xffff, v1;
	v1 =	vbroadcast v2, $0xF;
	v2 =	vmul.f32 v41, v3  }
0x6a: {  	v62 =	vmul.f32 v37, v7;
	v61 =	vadd.f32 v63, v61;
	v63 =	vmul.f32 v32, v22  }
0x6b: {  	v0, _, _ =	vpop (xrf2);
	v2 =	vadd.f32 v55, v2;
	v55 =	vadd.f32 v57, v56;
	v56 =	vmul.f32 v48, v4  }
0x6c: {  	v57 =	vmul.f32 v46, v5;
	v0 =	vbroadcast v0, $0xF  }
0x6d: {  	v59 =	vadd.f32 v62, v59;
	v2 =	vadd.f32 v55, v2;
	v55 =	vmul.f32 v26, v10  }
0x6e: {  	v62 =	vmul.f32 v30, v10;
	v56 =	vadd.f32 v57, v56;
	v0 =	vsel vm0, v1, v0  }
0x6f: {  	v1 =	vmul.f32 v44, v8;
	v12 =	vadd.f32 v12, v55;
	v55 =	vadd.f32 v60, v58  }
0x70: {  	v15 =	vmovc v13;
	v56 =	vadd.f32 v59, v56;
	v58 =	vmul.f32 v50, v4;
	v59 =	vmul.f32 v49, v5  }
0x71: {  	v13 =	vmovc v3;
	v60 =	vmul.f32 v42, v6;
	v12 =	vadd.f32 v12, v61;
	v2 =	vadd.f32 v55, v2  }
0x72: {  	v3, _, _ =	vpop (xrf2);
	v55 =	vmul.f32 v40, v7;
	v61 =	vmul.f32 v33, v8;
	v58 =	vadd.f32 v59, v58  }
0x73: {  	v59 =	vmul.f32 v53, v4;
	v57, _, _ =	vpop (xrf2);
	v12 =	vadd.f32 v12, v56;
	v56 =	vmul.f32 v34, v9  }
0x74: {  	v3 =	vbroadcast v3, $0xF;
	v55 =	vadd.f32 v55, v60;
	v57 =	vbroadcast v57, $0xF  }
0x75: {  	v60 =	vmul.f32 v54, v5;
	v56 =	vadd.f32 v56, v61;
	v61 =	vadd.f32 v63, v62  }
0x76: {  	v62 =	vmul.f32 v51, v6;
	v63 =	vmul.f32 v52, v7;
	v3 =	vsel vm1, v3, v57  }
0x77: {  	v59 =	vadd.f32 v60, v59;
	v60 =	vmul.f32 v47, v22;
	v0 =	vsel vm2, v0, v3  }
0x78: {  	v57 =	vmul.f32 v43, v9;
	v3 =	vmul.f32 v45, v10;
	v0 =	vmax.f32 v0, $1.000000020e-24  }
0x79: {  	v62 =	vadd.f32 v63, v62;
	v63 =	vshrl.u32 v0, $0x1;
	v0 =	vmul.f32 $5.000000000e-01, v0  }
0x7a: {  	v1 =	vadd.f32 v57, v1;
	v3 =	vadd.f32 v60, v3;
	v63 =	vsub.s32 $0x5F3759DF, v63  }
0x7b: {  	v55 =	vadd.f32 v55, v58;
	v56 =	vadd.f32 v61, v56;
	v61 =	vmul.f32 v63, v0  }
0x7c: {  	v59 =	vadd.f32 v62, v59;
	v1 =	vadd.f32 v3, v1  }
0x7d: {  	(xrf2) =	vadd.scan.msk.f32 $0xffff, v2;
	v2 =	vadd.f32 v56, v55;
	v3 =	vmul.f32 v63, v61  }
0x7e: {  	(xrf2) =	vadd.scan.msk.f32 $0xffff, v12;
	v1 =	vadd.f32 v1, v59  }
0x7f: {  	(xrf2) =	vadd.scan.msk.f32 $0xffff, v2;
	v2 =	vsub.f32 $1.500000000e+00, v3  }
0x80: {  	(xrf2) =	vadd.scan.msk.f32 $0xffff, v1  }
0x81: {  	v1 =	vmul.f32 v63, v2;
	_ =	sdelay $0x1  }
0x82: {  	v0 =	vmul.f32 v1, v0;
	_ =	sdelay $0x1  }
0x83: {  	v0 =	vmul.f32 v0, v1;
	_ =	sdelay $0x1  }
0x84: {  	v2, _, _ =	vpop (xrf2);
	v0 =	vsub.f32 $1.500000000e+00, v0  }
0x85: {  	v3, _, _ =	vpop (xrf2)  }
0x86: {  	v60 =	vimm.s32 $0x0;
	v2 =	vbroadcast v2, $0xF;
	v12, _, _ =	vpop (xrf2);
	v0 =	vmul.f32 v0, v1  }
0x87: {  	v61 =	vimm.s32 $0x4;
	v1 =	vbroadcast v3, $0xF;
	v3 =	vbroadcast v12, $0xF;
	v12, _, _ =	vpop (xrf2)  }
0x88: {  	v12 =	vbroadcast v12, $0xF;
	v55 =	vperm.xlane v0, v60;
	v60 =	vimm.s32 $0x8  }
0x89: {  	v63 =	vimm.s32 $0xC;
	v56 =	vperm.xlane v0, v61;
	v57 =	vperm.xlane v0, v60  }
0x8a: {  	v0 =	vperm.xlane v0, v63;
	v2 =	vmul.f32 v55, v2  }
0x8b: {  	v1 =	vmul.f32 v56, v1;
	v3 =	vmul.f32 v57, v3  }
0x8c: {  	v12 =	vmul.f32 v12, v0  }
0x8d: {  	v1 =	vadd.f32 v1, v2;
	v3 =	vadd.f32 v3, v2  }
0x8e: {  	v2 =	vadd.f32 v12, v2  }
0x8f: {  	v1 =	vadd.f32 v1, v20;
	v3 =	vadd.f32 v3, v20  }
0x90: {  	v2 =	vadd.f32 v2, v20  }
0x91: {  	v12 =	vmul.f32 $9.999999770e-03, v1;
	v62 =	vmul.f32 $9.999999770e-03, v3  }
0x92: {  	vm3 =	vge.f32 v1, $0.0e+00;
	vm4 =	vge.f32 v3, $0.0e+00;
	v63 =	vmul.f32 $9.999999770e-03, v2  }
0x93: {  	v1 =	vsel vm3, v1, v12;
	vm3 =	vge.f32 v2, $0.0e+00;
	v3 =	vsel vm4, v3, v62  }
0x94: {  	v2 =	vsel vm3, v2, v63;
	v12 =	vmax.f32 v1, v3  }
0x95: {  	v12 =	vmax.f32 v12, v2  }
0x96: {  	v1 =	vsub.f32 v1, v12  }
0x97: {  	v3 =	vsub.f32 v3, v12  }
0x98: {  	v1 =	vmul.f32 $1.442695020e+00, v1  }
0x99: {  	v2 =	vsub.f32 v2, v12;
	v3 =	vmul.f32 $1.442695020e+00, v3  }
0x9a: {  	(erf) = vpow2.f32 v1  }
0x9b: {  	v1 =	vmul.f32 $1.442695020e+00, v2;
	(erf) = vpow2.f32 v3;
	_ =	sdelay $0x1  }
0x9c: {  	(erf) = vpow2.f32 v1;
	_ =	sdelay $0x5  }
0x9d: {  	v1 =	vpop (erf)  }
0x9e: {  	v2 =	vpop (erf)  }
0x9f: {  	v3 =	vadd.f32 v2, v1  }
0xa0: {  	v12 =	vpop (erf)  }
0xa1: {  	v3 =	vadd.f32 v3, v12;
	_ =	sdelay $0x1  }
0xa2: {  	v3 =	vadd.f32 $1.000000020e-16, v3;
	_ =	sdelay $0x1  }
0xa3: {  	(erf) = vrcp.f32 v3;
	_ =	sdelay $0x6  }
0xa4: {  	v41 =	vmul.f32 v55, v41  }
0xa5: {  	v39 =	vmul.f32 v55, v39;
	v36 =	vmul.f32 v55, v36  }
0xa6: {  	v35 =	vmul.f32 v55, v35;
	v28 =	vmul.f32 v55, v28;
	v3 =	vpop (erf)  }
0xa7: {  	v27 =	vmul.f32 v55, v27;
	v1 =	vmul.f32 v3, v1  }
0xa8: {  	v24 =	vmul.f32 v55, v24;
	v2 =	vmul.f32 v3, v2  }
0xa9: {  	v3 =	vmul.f32 v3, v12;
	v12 =	vmul.f32 v1, v56  }
0xaa: {  	v23 =	vmul.f32 v55, v23;
	v56 =	vmul.f32 v2, v57  }
0xab: {  	v0 =	vmul.f32 v3, v0;
	v48 =	vmul.f32 v12, v48  }
0xac: {  	v46 =	vmul.f32 v12, v46;
	v60 =	vmul.f32 v56, v50  }
0xad: {  	v61 =	vmul.f32 v0, v53;
	v62 =	vmul.f32 v56, v49  }
0xae: {  	v63 =	vmul.f32 v0, v54;
	v38 =	vmul.f32 v12, v38  }
0xaf: {  	v37 =	vmul.f32 v12, v37;
	v50 =	vmul.f32 v56, v42  }
0xb0: {  	v53 =	vmul.f32 v56, v40;
	v54 =	vmul.f32 v0, v51  }
0xb1: {  	v31 =	vmul.f32 v12, v31;
	v29 =	vmul.f32 v12, v29;
	v41 =	vadd.f32 v48, v41  }
0xb2: {  	v26 =	vmul.f32 v12, v26;
	v39 =	vadd.f32 v46, v39;
	v36 =	vadd.f32 v38, v36  }
0xb3: {  	v12 =	vmul.f32 v12, v25;
	v35 =	vadd.f32 v37, v35;
	v28 =	vadd.f32 v31, v28  }
0xb4: {  	v57 =	vmul.f32 v0, v52;
	v27 =	vadd.f32 v29, v27;
	v24 =	vadd.f32 v26, v24  }
0xb5: {  	v58 =	vmul.f32 v56, v33;
	v12 =	vadd.f32 v12, v23;
	v41 =	vadd.f32 v41, v60  }
0xb6: {  	v59 =	vmul.f32 v56, v34;
	v39 =	vadd.f32 v39, v62;
	v36 =	vadd.f32 v36, v50  }
0xb7: {  	v23 =	vmul.f32 v56, v32;
	v35 =	vadd.f32 v35, v53;
	v28 =	vadd.f32 v28, v58  }
0xb8: {  	v27 =	vadd.f32 v27, v59;
	v60 =	vmul.f32 v0, v44;
	v41 =	vadd.f32 v41, v61  }
0xb9: {  	v62 =	vmul.f32 v0, v43;
	v12 =	vadd.f32 v12, v23;
	v39 =	vadd.f32 v39, v63  }
0xba: {  	v36 =	vadd.f32 v36, v54;
	v61 =	vmul.f32 v56, v30;
	[tilespmem:v19+s29+$0xFFFFFF90 ss:$0x1] =	vst.idx.msk $0xffff, v41  }
0xbb: {  	v35 =	vadd.f32 v35, v57;
	v25 =	vadd.f32 v28, v60;
	[tilespmem:v19+s29+$0xFFFFFFA0 ss:$0x1] =	vst.idx.msk $0xffff, v39  }
0xbc: {  	v63 =	vmul.f32 v0, v45;
	v24 =	vadd.f32 v24, v61;
	[tilespmem:v19+s29+$0xFFFFFFB0 ss:$0x1] =	vst.idx.msk $0xffff, v36  }
0xbd: {  	v27 =	vadd.f32 v27, v62;
	v0 =	vmul.f32 v0, v47;
	[tilespmem:v19+s29+$0xFFFFFFC0 ss:$0x1] =	vst.idx.msk $0xffff, v35  }
0xbe: {  	v23 =	vadd.f32 v24, v63;
	[tilespmem:v19+s29+$0xFFFFFFD0 ss:$0x1] =	vst.idx.msk $0xffff, v25  }
0xbf: {  	p1 =	sne.s32 s28, $0x9E00;
	v0 =	vadd.f32 v12, v0;
	[tilespmem:v19+s29+$0xFFFFFFE0 ss:$0x1] =	vst.idx.msk $0xffff, v27  }
.Ltmp0:
0xc0: {  	[tilespmem:v19+s29+$0xFFFFFFF0 ss:$0x1] =	vst.idx.msk $0xffff, v23;
	(pc) =	sbr.rel @p1 .LBB2_3-.Ltmp0, $4  }
0xc1: {  	[tilespmem:v19+s29+$0x0 ss:$0x1] =	vst.idx.msk $0xffff, v0  }
0xc2: {  	[tilespmem:s21+$0xFFFFFFB0] =	vst.msk $0x1, v1  }
0xc3: {  	v12 =	vmov v14;
	[tilespmem:s21+$0x0] =	vst.msk $0x1, v2  }
0xc4: {  	s28 =	sadd.s32 $0x200, s28;
	v14 =	vmovc v16;
	v16 =	vmovc v18;
	v18 =	vmov v11;
	v11 =	vld [tilespmem:$0x1FFF0];
	[tilespmem:s21+$0x50] =	vst.msk $0x1, v3;
	v3 =	vmov v13;
	v13 =	vmov v15;
	s21 =	sadd.s32 $0x1, s21  }
0xc5: {  	s21 =	smul.u32 $0x2800, s23;
	_ =	sdelay $0x1  }
0xc6: {  	s21 =	sshrl.u32 s21, $0x3  }
0xc7: {  	s19 =	sadd.s32 $0x3, s19;
	s29 =	sshrl.u32 s20, $0x3;
	s21 =	sadd.s32 s3, s21  }
0xc8: {  	[hbm4b:s21+s5] =	stream.linear.scatter [tilespmem:s26], [sflag:s19], $0x2800, $0x38;
	[tilespmem:$0x19380] =	vst v63  }
0xc9: {  	s30 =	sadd.s32 $0x186A0, s20;
	p1 =	sne.s32 s18, s7;
	s21 =	sadd.s32 s4, s29  }
0xca: {  	[hbm4b:s21+s5] =	stream.linear.scatter [tilespmem:s25], [sflag:s19], $0x50, $0x38;
	[tilespmem:$0x19380] =	vst v63  }
.Ltmp1:
0xcb: {  	s31 =	sadd.s32 $0x30D40, s20;
	s21 =	sshrl.u32 s30, $0x3;
	(pc) =	sbr.rel @p1 .LBB2_2-.Ltmp1, $4  }
0xcc: {  	s20 =	sshrl.u32 s31, $0x3;
	s21 =	sadd.s32 s4, s21  }
0xcd: {  	[hbm4b:s21+s5] =	stream.linear.scatter [tilespmem:s24], [sflag:s19], $0x50, $0x38;
	[tilespmem:$0x19380] =	vst v63  }
0xce: {  	p0 =	por !p0, !p0;
	s20 =	sadd.s32 s4, s20  }
0xcf: {  	[hbm4b:s20+s5] =	stream.linear.scatter [tilespmem:s22], [sflag:s19], $0x50, $0x38;
	[tilespmem:$0x19380] =	vst v63  }
0xd0: {  	_ =	swait.ge [sflag:s10], $0x2800  }
0xd1: {  	[sflag:s10] =	ssyncset.done $0x0  }
0xd2: {  	[sflag:s10] =	ssyncadd.s32 $0xFFFFD800  }
0xd3: {  	_ =	swait.ge [sflag:s10], $0x50  }
0xd4: {  	[sflag:s10] =	ssyncset.done $0x0  }
0xd5: {  	[sflag:s10] =	ssyncadd.s32 $0xFFFFFFB0  }
0xd6: {  	_ =	swait.ge [sflag:s10], $0x50  }
0xd7: {  	[sflag:s10] =	ssyncset.done $0x0  }
0xd8: {  	[sflag:s10] =	ssyncadd.s32 $0xFFFFFFB0  }
0xd9: {  	_ =	swait.ge [sflag:s10], $0x50  }
0xda: {  	[sflag:s10] =	ssyncset.done $0x0  }
0xdb: {  	[sflag:s10] =	ssyncadd.s32 $0xFFFFFFB0  }
0xdc: {  	_ =	swait.ge [sflag:s11], $0x2800  }
0xdd: {  	[sflag:s11] =	ssyncset.done $0x0  }
0xde: {  	[sflag:s11] =	ssyncadd.s32 $0xFFFFD800  }
0xdf: {  	_ =	swait.ge [sflag:s11], $0x50  }
0xe0: {  	[sflag:s11] =	ssyncset.done $0x0  }
0xe1: {  	s17 =	sadd.s32 $0x1, s17;
	[sflag:s11] =	ssyncadd.s32 $0xFFFFFFB0  }
0xe2: {  	p0 =	sne.s32 s17, s12;
	_ =	swait.ge [sflag:s11], $0x50  }
.Ltmp2:
0xe3: {  	[sflag:s11] =	ssyncset.done $0x0;
	(pc) =	sbr.rel @p0 .LBB2_1-.Ltmp2, $4  }
0xe4: {  	[sflag:s11] =	ssyncadd.s32 $0xFFFFFFB0  }
0xe5: {  	_ =	swait.ge [sflag:s11], $0x50  }
0xe6: {  	[sflag:s11] =	ssyncset.done $0x0  }
0xe7: {  	[sflag:s11] =	ssyncadd.s32 $0xFFFFFFB0  }
0xe8: {  	_ =	sfence.sel $0x180000  }
0xe9: {  	[bflag:$0x0] =	sbarrier.arrive $0xFFFF  }
0xea: {  	p0 =	sne.s32 s0, $0x0;
	_ =	strace $0x90000047  }
0xeb: {  	s0 =	sadd.s32 @!p0 $0x100000, s2;
	[bflag:$0x2] =	sbarrier.arrive $0xFFFF  }
0xec: {  	[sflag:s0] =	ssyncadd.tile.s32 @!p0 $0x1;
	_ =	shalt  }
.Lfunc_end2:
_tile_overlayer_lowered:
.L_overlay_start_2:
0xed: {  	(tag) =	ssettag $0x2  }
0xee: {  	s0 =	rddreg [dreg:$0x0];
	s2 =	stileid.u32  }
0xef: {  	s1 =	rddreg [dreg:$0x1];
	p0 =	sne.s32 s2, $0x0  }
0xf0: {  	s3 =	rddreg [dreg:$0x2];
	[bflag:$0x3] =	sbarrier.arrive $0xFFFF;
	s2 =	simm.s32 @!p0 $0x1C05  }
0xf1: {  	[timem:s3], [sflag:s2] =	dma.local @!p0 [hbm:s0], s1  }
0xf2: {  	s0 =	simm.s32 @!p0 $0x5  }
0xf3: {  	_ =	swait.ge @!p0 [sflag:s0], s1  }
0xf4: {  	s1 =	ssub.s32 @!p0 $0x0, s1;
	[sflag:s0] =	ssyncset.done @!p0 $0x0  }
0xf5: {  	[sflag:s0] =	ssyncadd.s32 @!p0 s1  }
0xf6: {  	[bflag:$0x3] =	sbarrier.arrive $0xFFFF  }
0xf7: {  	_ =	shalt  }

</sc_bundles>
